<compile_context>
chip_gen: v7x
topology: tpu7x:2x2x1
jax: 0.10.2.dev20260603
libtpu: 0.0.44.dev20260713+nightly
codegen_flags: <defaults>
</compile_context>

<pallas_src>
import functools

import jax
import jax.numpy as jnp
from jax import lax
from jax.experimental import pallas as pl
from jax.experimental.pallas import tpu as pltpu
from jax.experimental.pallas import tpu_sc as plsc

D_MODEL = 768
N_EXPERTS = 64
BLOCK = 4096
LANES = 128
L = 16


def _tc_body(x_ref, w_ref, b_ref, scores_t_ref):
    x = x_ref[...]
    w = w_ref[...]
    lt = jax.lax.dot_general(
        w, x, (((1,), (1,)), ((), ())), preferred_element_type=jnp.float32
    )
    lt = lt + b_ref[...]
    m = jnp.max(lt, axis=0, keepdims=True)
    ea = jnp.exp(lt - m)
    s = jnp.sum(ea, axis=0, keepdims=True)
    scores_t_ref[...] = ea * (1.0 / s)


def _make_sc_topk(n_tokens):
    nc, ns = 2, 16
    nw = nc * ns
    tok_w = n_tokens // nw
    groups = tok_w // L
    rows = tok_w // LANES

    mesh = plsc.VectorSubcoreMesh(core_axis_name="c", subcore_axis_name="s")

    @functools.partial(
        pl.kernel,
        mesh=mesh,
        out_type=[
            jax.ShapeDtypeStruct((n_tokens // LANES, 2, LANES), jnp.float32),
            jax.ShapeDtypeStruct((n_tokens // LANES, 2, LANES), jnp.int32),
        ],
        scratch_types=[
            pltpu.VMEM((N_EXPERTS, tok_w), jnp.float32),
            pltpu.VMEM((rows, 2, LANES), jnp.float32),
            pltpu.VMEM((rows, 2, LANES), jnp.int32),
        ],
    )
    def sc_topk(scores_t_hbm, vals_hbm, idx_hbm, sc_v, vals_v, idx_v):
        wid = lax.axis_index("s") * nc + lax.axis_index("c")
        base = wid * tok_w
        pltpu.sync_copy(scores_t_hbm.at[:, pl.ds(base, tok_w)], sc_v)

        def group(g, carry):
            off = g * L
            m1 = sc_v[0, pl.ds(off, L)]
            i1 = jnp.zeros((L,), jnp.int32)
            m2 = jnp.full((L,), float("-inf"), jnp.float32)
            i2 = jnp.zeros((L,), jnp.int32)
            for e in range(1, N_EXPERTS):
                v = sc_v[e, pl.ds(off, L)]
                gt1 = v > m1
                gt2 = v > m2
                i2 = jnp.where(gt1, i1, jnp.where(gt2, e, i2))
                m2 = jnp.where(gt1, m1, jnp.where(gt2, v, m2))
                i1 = jnp.where(gt1, e, i1)
                m1 = jnp.where(gt1, v, m1)
            r = g // (LANES // L)
            lo = (g % (LANES // L)) * L
            vals_v[r, 0, pl.ds(lo, L)] = m1
            vals_v[r, 1, pl.ds(lo, L)] = m2
            idx_v[r, 0, pl.ds(lo, L)] = i1
            idx_v[r, 1, pl.ds(lo, L)] = i2
            return carry

        lax.fori_loop(0, groups, group, 0)
        pltpu.sync_copy(vals_v, vals_hbm.at[pl.ds(base // LANES, rows)])
        pltpu.sync_copy(idx_v, idx_hbm.at[pl.ds(base // LANES, rows)])

    return sc_topk


@jax.jit
def kernel(hidden_states, gate_weight, gate_bias):
    n_tokens = hidden_states.shape[0]
    grid = (n_tokens // BLOCK,)
    bias2d = gate_bias.reshape(N_EXPERTS, 1)
    scores_t = pl.pallas_call(
        _tc_body,
        grid=grid,
        in_specs=[
            pl.BlockSpec((BLOCK, D_MODEL), lambda i: (i, 0)),
            pl.BlockSpec((N_EXPERTS, D_MODEL), lambda i: (0, 0)),
            pl.BlockSpec((N_EXPERTS, 1), lambda i: (0, 0)),
        ],
        out_specs=pl.BlockSpec((N_EXPERTS, BLOCK), lambda i: (0, i)),
        out_shape=jax.ShapeDtypeStruct((N_EXPERTS, n_tokens), jnp.float32),
        compiler_params=pltpu.CompilerParams(
            dimension_semantics=("parallel",),
        ),
    )(hidden_states, gate_weight, bias2d)
    vals3, idx3 = _make_sc_topk(n_tokens)(scores_t)
    scores = scores_t.T
    vals = vals3.transpose(0, 2, 1).reshape(n_tokens, 2)
    idx = idx3.transpose(0, 2, 1).reshape(n_tokens, 2)
    return ((idx, vals), scores)

# --- scband reference (transcript-rebuilt; emitter-appended) ---
"""Pipeline reference for scband-router-5592047420170 (READ-ONLY COPY).

The authoritative reference and input builder live on the scoring server;
editing this copy changes nothing except your own understanding.
"""

import jax, jax.numpy as jnp
import numpy as np

D_MODEL = 768
NUM_EXPERTS = 64
TOP_K = 2
N_TOKENS = 32768


def setup_inputs(seed: int = 0) -> dict:
    key = jax.random.key(seed)
    k_x, k_w, k_b = jax.random.split(key, 3)
    hidden_states = jax.random.normal(k_x, (N_TOKENS, D_MODEL), dtype=jnp.float32)
    # nn.Linear(input_dim, num_experts): weight [num_experts, input_dim], bias [num_experts]
    bound = 1.0 / np.sqrt(D_MODEL)
    gate_weight = jax.random.uniform(k_w, (NUM_EXPERTS, D_MODEL), dtype=jnp.float32, minval=-bound, maxval=bound)
    gate_bias = jax.random.uniform(k_b, (NUM_EXPERTS,), dtype=jnp.float32, minval=-bound, maxval=bound)
    return {"hidden_states": hidden_states, "gate_weight": gate_weight, "gate_bias": gate_bias}


def reference(hidden_states, gate_weight, gate_bias):
    # logits = self.gate(hidden_states)
    logits = hidden_states @ gate_weight.T + gate_bias
    # scores = F.softmax(logits, dim=-1)
    scores = jax.nn.softmax(logits, axis=-1)
    # top_k == 2 branch: torch.topk returns (values, indices)
    top_k_values, top_k_indices = jax.lax.top_k(scores, TOP_K)
    top_k_experts = (top_k_indices, top_k_values)
    return (top_k_experts, scores)

if __name__ == "__main__":
    import jax
    _d = setup_inputs()
    print(jax.jit(kernel)(*tuple(_d.values())))

</pallas_src>

<mosaic_0001>
#map = affine_map<(d0, d1) -> (0, 0)>
#map1 = affine_map<(d0, d1) -> (0, 0, 0)>
module attributes {stable_mosaic.version = 14 : i64} {
  func.func @sc_topk(%arg0: i32, %arg1: i32, %arg2: memref<64x32768xf32, #tpu.memory_space<hbm>>, %arg3: memref<256x2x128xf32, #tpu.memory_space<hbm>>, %arg4: memref<256x2x128xi32, #tpu.memory_space<hbm>>, %arg5: memref<64x1024xf32, #tpu.memory_space<vmem>>, %arg6: memref<8x2x128xf32, #tpu.memory_space<vmem>>, %arg7: memref<8x2x128xi32, #tpu.memory_space<vmem>>) attributes {dimension_semantics = [#tpu.dimension_semantics<core_parallel>, #tpu.dimension_semantics<subcore_parallel>], iteration_bounds = array<i64: 2, 16>, scalar_prefetch = 0 : i64, scratch_operands = 3 : i64, tpu.core_type = #tpu.core_type<sc_vector_subcore>, window_params = [{transform_indices = #map}, {transform_indices = #map1}, {transform_indices = #map1}]} {
    %mul3A = arith.constant 2 : i32
    %mul3A_0 = arith.muli %arg1, %mul3A : i32
    %add3A = arith.addi %mul3A_0, %arg0 : i32
    %mul3A_1 = arith.constant 1024 : i32
    %mul3A_2 = arith.muli %add3A, %mul3A_1 : i32
    "tpu.region"() ({
      %run_scoped3A = tpu.sem_alloc : memref<!tpu.dma_semaphore, #tpu.memory_space<semaphore_mem>>
      %dma_start3A = arith.constant 0 : i32
      %dma_start3A_48 = tpu.memref_slice %arg2[%dma_start3A, %mul3A_2] : memref<64x32768xf32, #tpu.memory_space<hbm>> -> memref<64x1024xf32, #tpu.memory_space<hbm>>
      %dma_start3A_49 = arith.constant 0 : i32
      %dma_start3A_50 = tpu.memref_slice %arg2[%dma_start3A_49, %mul3A_2] : memref<64x32768xf32, #tpu.memory_space<hbm>> -> memref<64x1024xf32, #tpu.memory_space<hbm>>
      tpu.enqueue_dma source(%dma_start3A_50 : memref<64x1024xf32, #tpu.memory_space<hbm>>) target(%arg5 : memref<64x1024xf32, #tpu.memory_space<vmem>>) target_semaphore(%run_scoped3A : memref<!tpu.dma_semaphore, #tpu.memory_space<semaphore_mem>>)
      %dma_wait3A = arith.constant 0 : i32
      %dma_wait3A_51 = tpu.memref_slice %arg2[%dma_wait3A, %mul3A_2] : memref<64x32768xf32, #tpu.memory_space<hbm>> -> memref<64x1024xf32, #tpu.memory_space<hbm>>
      %dma_wait3A_52 = arith.constant 0 : i32
      %dma_wait3A_53 = tpu.memref_slice %arg2[%dma_wait3A_52, %mul3A_2] : memref<64x32768xf32, #tpu.memory_space<hbm>> -> memref<64x1024xf32, #tpu.memory_space<hbm>>
      tpu.wait_dma2 semaphore(%run_scoped3A : memref<!tpu.dma_semaphore, #tpu.memory_space<semaphore_mem>>) src(%dma_wait3A_53 : memref<64x1024xf32, #tpu.memory_space<hbm>>) dst(%arg5 : memref<64x1024xf32, #tpu.memory_space<vmem>>)
      tpu.yield
    }) : () -> ()
    %scan3A = arith.constant 0 : i32
    %scan3A_3 = arith.constant 0 : i32
    %scan3A_4 = arith.constant 64 : i32
    %scan3A_5 = arith.addi %scan3A_3, %scan3A_4 : i32
    %scan3A_6 = arith.constant 1 : i32
    scf.for %scan3A_48 = %scan3A_3 to %scan3A_5 step %scan3A_6  : i32 {
      %mul3A_49 = arith.constant 16 : i32
      %mul3A_50 = arith.muli %scan3A_48, %mul3A_49 : i32
      %get3A = arith.constant 0 : i32
      %get3A_51 = arith.index_cast %get3A : i32 to index
      %get3A_52 = arith.index_cast %mul3A_50 : i32 to index
      %get3A_53 = tpu.vector_load %arg5[%get3A_51, %get3A_52] {strides = array<i32>} : memref<64x1024xf32, #tpu.memory_space<vmem>>, vector<1x16xf32>,
      %get3A_54 = vector.shape_cast %get3A_53 : vector<1x16xf32> to vector<16xf32>
      %broadcast_in_dim3A = arith.constant 0 : i32
      %broadcast_in_dim3A_55 = vector.broadcast %broadcast_in_dim3A : i32 to vector<16xi32>
      %broadcast_in_dim3A_56 = arith.constant 0xFF800000 : f32
      %broadcast_in_dim3A_57 = vector.broadcast %broadcast_in_dim3A_56 : f32 to vector<16xf32>
      %broadcast_in_dim3A_58 = arith.constant 0 : i32
      %broadcast_in_dim3A_59 = vector.broadcast %broadcast_in_dim3A_58 : i32 to vector<16xi32>
      %get3A_60 = arith.constant 1 : i32
      %get3A_61 = arith.index_cast %get3A_60 : i32 to index
      %get3A_62 = arith.index_cast %mul3A_50 : i32 to index
      %get3A_63 = tpu.vector_load %arg5[%get3A_61, %get3A_62] {strides = array<i32>} : memref<64x1024xf32, #tpu.memory_space<vmem>>, vector<1x16xf32>,
      %get3A_64 = vector.shape_cast %get3A_63 : vector<1x16xf32> to vector<16xf32>
      %gt3A = arith.cmpf ogt, %get3A_64, %get3A_54 : vector<16xf32>
      %gt3A_65 = arith.cmpf ogt, %get3A_64, %broadcast_in_dim3A_57 : vector<16xf32>
      %jit3A_66 = arith.constant 1 : i32
      %broadcast_in_dim3A_67 = vector.broadcast %jit3A_66 : i32 to vector<16xi32>
      %select_n3A_68 = arith.select %gt3A_65, %broadcast_in_dim3A_67, %broadcast_in_dim3A_59 : vector<16xi1>, vector<16xi32>
      %select_n3A_69 = arith.select %gt3A, %broadcast_in_dim3A_55, %select_n3A_68 : vector<16xi1>, vector<16xi32>
      %select_n3A_70 = arith.select %gt3A_65, %get3A_64, %broadcast_in_dim3A_57 : vector<16xi1>, vector<16xf32>
      %select_n3A_71 = arith.select %gt3A, %get3A_54, %select_n3A_70 : vector<16xi1>, vector<16xf32>
      %jit3A_72 = arith.constant 1 : i32
      %broadcast_in_dim3A_73 = vector.broadcast %jit3A_72 : i32 to vector<16xi32>
      %select_n3A_74 = arith.select %gt3A, %broadcast_in_dim3A_73, %broadcast_in_dim3A_55 : vector<16xi1>, vector<16xi32>
      %select_n3A_75 = arith.select %gt3A, %get3A_64, %get3A_54 : vector<16xi1>, vector<16xf32>
      %get3A_76 = arith.constant 2 : i32
      %get3A_77 = arith.index_cast %get3A_76 : i32 to index
      %get3A_78 = arith.index_cast %mul3A_50 : i32 to index
      %get3A_79 = tpu.vector_load %arg5[%get3A_77, %get3A_78] {strides = array<i32>} : memref<64x1024xf32, #tpu.memory_space<vmem>>, vector<1x16xf32>,
      %get3A_80 = vector.shape_cast %get3A_79 : vector<1x16xf32> to vector<16xf32>
      %gt3A_81 = arith.cmpf ogt, %get3A_80, %select_n3A_75 : vector<16xf32>
      %gt3A_82 = arith.cmpf ogt, %get3A_80, %select_n3A_71 : vector<16xf32>
      %jit3A_83 = arith.constant 2 : i32
      %broadcast_in_dim3A_84 = vector.broadcast %jit3A_83 : i32 to vector<16xi32>
      %select_n3A_85 = arith.select %gt3A_82, %broadcast_in_dim3A_84, %select_n3A_69 : vector<16xi1>, vector<16xi32>
      %select_n3A_86 = arith.select %gt3A_81, %select_n3A_74, %select_n3A_85 : vector<16xi1>, vector<16xi32>
      %select_n3A_87 = arith.select %gt3A_82, %get3A_80, %select_n3A_71 : vector<16xi1>, vector<16xf32>
      %select_n3A_88 = arith.select %gt3A_81, %select_n3A_75, %select_n3A_87 : vector<16xi1>, vector<16xf32>
      %jit3A_89 = arith.constant 2 : i32
      %broadcast_in_dim3A_90 = vector.broadcast %jit3A_89 : i32 to vector<16xi32>
      %select_n3A_91 = arith.select %gt3A_81, %broadcast_in_dim3A_90, %select_n3A_74 : vector<16xi1>, vector<16xi32>
      %select_n3A_92 = arith.select %gt3A_81, %get3A_80, %select_n3A_75 : vector<16xi1>, vector<16xf32>
      %get3A_93 = arith.constant 3 : i32
      %get3A_94 = arith.index_cast %get3A_93 : i32 to index
      %get3A_95 = arith.index_cast %mul3A_50 : i32 to index
      %get3A_96 = tpu.vector_load %arg5[%get3A_94, %get3A_95] {strides = array<i32>} : memref<64x1024xf32, #tpu.memory_space<vmem>>, vector<1x16xf32>,
      %get3A_97 = vector.shape_cast %get3A_96 : vector<1x16xf32> to vector<16xf32>
      %gt3A_98 = arith.cmpf ogt, %get3A_97, %select_n3A_92 : vector<16xf32>
      %gt3A_99 = arith.cmpf ogt, %get3A_97, %select_n3A_88 : vector<16xf32>
      %jit3A_100 = arith.constant 3 : i32
      %broadcast_in_dim3A_101 = vector.broadcast %jit3A_100 : i32 to vector<16xi32>
      %select_n3A_102 = arith.select %gt3A_99, %broadcast_in_dim3A_101, %select_n3A_86 : vector<16xi1>, vector<16xi32>
      %select_n3A_103 = arith.select %gt3A_98, %select_n3A_91, %select_n3A_102 : vector<16xi1>, vector<16xi32>
      %select_n3A_104 = arith.select %gt3A_99, %get3A_97, %select_n3A_88 : vector<16xi1>, vector<16xf32>
      %select_n3A_105 = arith.select %gt3A_98, %select_n3A_92, %select_n3A_104 : vector<16xi1>, vector<16xf32>
      %jit3A_106 = arith.constant 3 : i32
      %broadcast_in_dim3A_107 = vector.broadcast %jit3A_106 : i32 to vector<16xi32>
      %select_n3A_108 = arith.select %gt3A_98, %broadcast_in_dim3A_107, %select_n3A_91 : vector<16xi1>, vector<16xi32>
      %select_n3A_109 = arith.select %gt3A_98, %get3A_97, %select_n3A_92 : vector<16xi1>, vector<16xf32>
      %get3A_110 = arith.constant 4 : i32
      %get3A_111 = arith.index_cast %get3A_110 : i32 to index
      %get3A_112 = arith.index_cast %mul3A_50 : i32 to index
      %get3A_113 = tpu.vector_load %arg5[%get3A_111, %get3A_112] {strides = array<i32>} : memref<64x1024xf32, #tpu.memory_space<vmem>>, vector<1x16xf32>,
      %get3A_114 = vector.shape_cast %get3A_113 : vector<1x16xf32> to vector<16xf32>
      %gt3A_115 = arith.cmpf ogt, %get3A_114, %select_n3A_109 : vector<16xf32>
      %gt3A_116 = arith.cmpf ogt, %get3A_114, %select_n3A_105 : vector<16xf32>
      %jit3A_117 = arith.constant 4 : i32
      %broadcast_in_dim3A_118 = vector.broadcast %jit3A_117 : i32 to vector<16xi32>
      %select_n3A_119 = arith.select %gt3A_116, %broadcast_in_dim3A_118, %select_n3A_103 : vector<16xi1>, vector<16xi32>
      %select_n3A_120 = arith.select %gt3A_115, %select_n3A_108, %select_n3A_119 : vector<16xi1>, vector<16xi32>
      %select_n3A_121 = arith.select %gt3A_116, %get3A_114, %select_n3A_105 : vector<16xi1>, vector<16xf32>
      %select_n3A_122 = arith.select %gt3A_115, %select_n3A_109, %select_n3A_121 : vector<16xi1>, vector<16xf32>
      %jit3A_123 = arith.constant 4 : i32
      %broadcast_in_dim3A_124 = vector.broadcast %jit3A_123 : i32 to vector<16xi32>
      %select_n3A_125 = arith.select %gt3A_115, %broadcast_in_dim3A_124, %select_n3A_108 : vector<16xi1>, vector<16xi32>
      %select_n3A_126 = arith.select %gt3A_115, %get3A_114, %select_n3A_109 : vector<16xi1>, vector<16xf32>
      %get3A_127 = arith.constant 5 : i32
      %get3A_128 = arith.index_cast %get3A_127 : i32 to index
      %get3A_129 = arith.index_cast %mul3A_50 : i32 to index
      %get3A_130 = tpu.vector_load %arg5[%get3A_128, %get3A_129] {strides = array<i32>} : memref<64x1024xf32, #tpu.memory_space<vmem>>, vector<1x16xf32>,
      %get3A_131 = vector.shape_cast %get3A_130 : vector<1x16xf32> to vector<16xf32>
      %gt3A_132 = arith.cmpf ogt, %get3A_131, %select_n3A_126 : vector<16xf32>
      %gt3A_133 = arith.cmpf ogt, %get3A_131, %select_n3A_122 : vector<16xf32>
      %jit3A_134 = arith.constant 5 : i32
      %broadcast_in_dim3A_135 = vector.broadcast %jit3A_134 : i32 to vector<16xi32>
      %select_n3A_136 = arith.select %gt3A_133, %broadcast_in_dim3A_135, %select_n3A_120 : vector<16xi1>, vector<16xi32>
      %select_n3A_137 = arith.select %gt3A_132, %select_n3A_125, %select_n3A_136 : vector<16xi1>, vector<16xi32>
      %select_n3A_138 = arith.select %gt3A_133, %get3A_131, %select_n3A_122 : vector<16xi1>, vector<16xf32>
      %select_n3A_139 = arith.select %gt3A_132, %select_n3A_126, %select_n3A_138 : vector<16xi1>, vector<16xf32>
      %jit3A_140 = arith.constant 5 : i32
      %broadcast_in_dim3A_141 = vector.broadcast %jit3A_140 : i32 to vector<16xi32>
      %select_n3A_142 = arith.select %gt3A_132, %broadcast_in_dim3A_141, %select_n3A_125 : vector<16xi1>, vector<16xi32>
      %select_n3A_143 = arith.select %gt3A_132, %get3A_131, %select_n3A_126 : vector<16xi1>, vector<16xf32>
      %get3A_144 = arith.constant 6 : i32
      %get3A_145 = arith.index_cast %get3A_144 : i32 to index
      %get3A_146 = arith.index_cast %mul3A_50 : i32 to index
      %get3A_147 = tpu.vector_load %arg5[%get3A_145, %get3A_146] {strides = array<i32>} : memref<64x1024xf32, #tpu.memory_space<vmem>>, vector<1x16xf32>,
      %get3A_148 = vector.shape_cast %get3A_147 : vector<1x16xf32> to vector<16xf32>
      %gt3A_149 = arith.cmpf ogt, %get3A_148, %select_n3A_143 : vector<16xf32>
      %gt3A_150 = arith.cmpf ogt, %get3A_148, %select_n3A_139 : vector<16xf32>
      %jit3A_151 = arith.constant 6 : i32
      %broadcast_in_dim3A_152 = vector.broadcast %jit3A_151 : i32 to vector<16xi32>
      %select_n3A_153 = arith.select %gt3A_150, %broadcast_in_dim3A_152, %select_n3A_137 : vector<16xi1>, vector<16xi32>
      %select_n3A_154 = arith.select %gt3A_149, %select_n3A_142, %select_n3A_153 : vector<16xi1>, vector<16xi32>
      %select_n3A_155 = arith.select %gt3A_150, %get3A_148, %select_n3A_139 : vector<16xi1>, vector<16xf32>
      %select_n3A_156 = arith.select %gt3A_149, %select_n3A_143, %select_n3A_155 : vector<16xi1>, vector<16xf32>
      %jit3A_157 = arith.constant 6 : i32
      %broadcast_in_dim3A_158 = vector.broadcast %jit3A_157 : i32 to vector<16xi32>
      %select_n3A_159 = arith.select %gt3A_149, %broadcast_in_dim3A_158, %select_n3A_142 : vector<16xi1>, vector<16xi32>
      %select_n3A_160 = arith.select %gt3A_149, %get3A_148, %select_n3A_143 : vector<16xi1>, vector<16xf32>
      %get3A_161 = arith.constant 7 : i32
      %get3A_162 = arith.index_cast %get3A_161 : i32 to index
      %get3A_163 = arith.index_cast %mul3A_50 : i32 to index
      %get3A_164 = tpu.vector_load %arg5[%get3A_162, %get3A_163] {strides = array<i32>} : memref<64x1024xf32, #tpu.memory_space<vmem>>, vector<1x16xf32>,
      %get3A_165 = vector.shape_cast %get3A_164 : vector<1x16xf32> to vector<16xf32>
      %gt3A_166 = arith.cmpf ogt, %get3A_165, %select_n3A_160 : vector<16xf32>
      %gt3A_167 = arith.cmpf ogt, %get3A_165, %select_n3A_156 : vector<16xf32>
      %jit3A_168 = arith.constant 7 : i32
      %broadcast_in_dim3A_169 = vector.broadcast %jit3A_168 : i32 to vector<16xi32>
      %select_n3A_170 = arith.select %gt3A_167, %broadcast_in_dim3A_169, %select_n3A_154 : vector<16xi1>, vector<16xi32>
      %select_n3A_171 = arith.select %gt3A_166, %select_n3A_159, %select_n3A_170 : vector<16xi1>, vector<16xi32>
      %select_n3A_172 = arith.select %gt3A_167, %get3A_165, %select_n3A_156 : vector<16xi1>, vector<16xf32>
      %select_n3A_173 = arith.select %gt3A_166, %select_n3A_160, %select_n3A_172 : vector<16xi1>, vector<16xf32>
      %jit3A_174 = arith.constant 7 : i32
      %broadcast_in_dim3A_175 = vector.broadcast %jit3A_174 : i32 to vector<16xi32>
      %select_n3A_176 = arith.select %gt3A_166, %broadcast_in_dim3A_175, %select_n3A_159 : vector<16xi1>, vector<16xi32>
      %select_n3A_177 = arith.select %gt3A_166, %get3A_165, %select_n3A_160 : vector<16xi1>, vector<16xf32>
      %get3A_178 = arith.constant 8 : i32
      %get3A_179 = arith.index_cast %get3A_178 : i32 to index
      %get3A_180 = arith.index_cast %mul3A_50 : i32 to index
      %get3A_181 = tpu.vector_load %arg5[%get3A_179, %get3A_180] {strides = array<i32>} : memref<64x1024xf32, #tpu.memory_space<vmem>>, vector<1x16xf32>,
      %get3A_182 = vector.shape_cast %get3A_181 : vector<1x16xf32> to vector<16xf32>
      %gt3A_183 = arith.cmpf ogt, %get3A_182, %select_n3A_177 : vector<16xf32>
      %gt3A_184 = arith.cmpf ogt, %get3A_182, %select_n3A_173 : vector<16xf32>
      %jit3A_185 = arith.constant 8 : i32
      %broadcast_in_dim3A_186 = vector.broadcast %jit3A_185 : i32 to vector<16xi32>
      %select_n3A_187 = arith.select %gt3A_184, %broadcast_in_dim3A_186, %select_n3A_171 : vector<16xi1>, vector<16xi32>
      %select_n3A_188 = arith.select %gt3A_183, %select_n3A_176, %select_n3A_187 : vector<16xi1>, vector<16xi32>
      %select_n3A_189 = arith.select %gt3A_184, %get3A_182, %select_n3A_173 : vector<16xi1>, vector<16xf32>
      %select_n3A_190 = arith.select %gt3A_183, %select_n3A_177, %select_n3A_189 : vector<16xi1>, vector<16xf32>
      %jit3A_191 = arith.constant 8 : i32
      %broadcast_in_dim3A_192 = vector.broadcast %jit3A_191 : i32 to vector<16xi32>
      %select_n3A_193 = arith.select %gt3A_183, %broadcast_in_dim3A_192, %select_n3A_176 : vector<16xi1>, vector<16xi32>
      %select_n3A_194 = arith.select %gt3A_183, %get3A_182, %select_n3A_177 : vector<16xi1>, vector<16xf32>
      %get3A_195 = arith.constant 9 : i32
      %get3A_196 = arith.index_cast %get3A_195 : i32 to index
      %get3A_197 = arith.index_cast %mul3A_50 : i32 to index
      %get3A_198 = tpu.vector_load %arg5[%get3A_196, %get3A_197] {strides = array<i32>} : memref<64x1024xf32, #tpu.memory_space<vmem>>, vector<1x16xf32>,
      %get3A_199 = vector.shape_cast %get3A_198 : vector<1x16xf32> to vector<16xf32>
      %gt3A_200 = arith.cmpf ogt, %get3A_199, %select_n3A_194 : vector<16xf32>
      %gt3A_201 = arith.cmpf ogt, %get3A_199, %select_n3A_190 : vector<16xf32>
      %jit3A_202 = arith.constant 9 : i32
      %broadcast_in_dim3A_203 = vector.broadcast %jit3A_202 : i32 to vector<16xi32>
      %select_n3A_204 = arith.select %gt3A_201, %broadcast_in_dim3A_203, %select_n3A_188 : vector<16xi1>, vector<16xi32>
      %select_n3A_205 = arith.select %gt3A_200, %select_n3A_193, %select_n3A_204 : vector<16xi1>, vector<16xi32>
      %select_n3A_206 = arith.select %gt3A_201, %get3A_199, %select_n3A_190 : vector<16xi1>, vector<16xf32>
      %select_n3A_207 = arith.select %gt3A_200, %select_n3A_194, %select_n3A_206 : vector<16xi1>, vector<16xf32>
      %jit3A_208 = arith.constant 9 : i32
      %broadcast_in_dim3A_209 = vector.broadcast %jit3A_208 : i32 to vector<16xi32>
      %select_n3A_210 = arith.select %gt3A_200, %broadcast_in_dim3A_209, %select_n3A_193 : vector<16xi1>, vector<16xi32>
      %select_n3A_211 = arith.select %gt3A_200, %get3A_199, %select_n3A_194 : vector<16xi1>, vector<16xf32>
      %get3A_212 = arith.constant 10 : i32
      %get3A_213 = arith.index_cast %get3A_212 : i32 to index
      %get3A_214 = arith.index_cast %mul3A_50 : i32 to index
      %get3A_215 = tpu.vector_load %arg5[%get3A_213, %get3A_214] {strides = array<i32>} : memref<64x1024xf32, #tpu.memory_space<vmem>>, vector<1x16xf32>,
      %get3A_216 = vector.shape_cast %get3A_215 : vector<1x16xf32> to vector<16xf32>
      %gt3A_217 = arith.cmpf ogt, %get3A_216, %select_n3A_211 : vector<16xf32>
      %gt3A_218 = arith.cmpf ogt, %get3A_216, %select_n3A_207 : vector<16xf32>
      %jit3A_219 = arith.constant 10 : i32
      %broadcast_in_dim3A_220 = vector.broadcast %jit3A_219 : i32 to vector<16xi32>
      %select_n3A_221 = arith.select %gt3A_218, %broadcast_in_dim3A_220, %select_n3A_205 : vector<16xi1>, vector<16xi32>
      %select_n3A_222 = arith.select %gt3A_217, %select_n3A_210, %select_n3A_221 : vector<16xi1>, vector<16xi32>
      %select_n3A_223 = arith.select %gt3A_218, %get3A_216, %select_n3A_207 : vector<16xi1>, vector<16xf32>
      %select_n3A_224 = arith.select %gt3A_217, %select_n3A_211, %select_n3A_223 : vector<16xi1>, vector<16xf32>
      %jit3A_225 = arith.constant 10 : i32
      %broadcast_in_dim3A_226 = vector.broadcast %jit3A_225 : i32 to vector<16xi32>
      %select_n3A_227 = arith.select %gt3A_217, %broadcast_in_dim3A_226, %select_n3A_210 : vector<16xi1>, vector<16xi32>
      %select_n3A_228 = arith.select %gt3A_217, %get3A_216, %select_n3A_211 : vector<16xi1>, vector<16xf32>
      %get3A_229 = arith.constant 11 : i32
      %get3A_230 = arith.index_cast %get3A_229 : i32 to index
      %get3A_231 = arith.index_cast %mul3A_50 : i32 to index
      %get3A_232 = tpu.vector_load %arg5[%get3A_230, %get3A_231] {strides = array<i32>} : memref<64x1024xf32, #tpu.memory_space<vmem>>, vector<1x16xf32>,
      %get3A_233 = vector.shape_cast %get3A_232 : vector<1x16xf32> to vector<16xf32>
      %gt3A_234 = arith.cmpf ogt, %get3A_233, %select_n3A_228 : vector<16xf32>
      %gt3A_235 = arith.cmpf ogt, %get3A_233, %select_n3A_224 : vector<16xf32>
      %jit3A_236 = arith.constant 11 : i32
      %broadcast_in_dim3A_237 = vector.broadcast %jit3A_236 : i32 to vector<16xi32>
      %select_n3A_238 = arith.select %gt3A_235, %broadcast_in_dim3A_237, %select_n3A_222 : vector<16xi1>, vector<16xi32>
      %select_n3A_239 = arith.select %gt3A_234, %select_n3A_227, %select_n3A_238 : vector<16xi1>, vector<16xi32>
      %select_n3A_240 = arith.select %gt3A_235, %get3A_233, %select_n3A_224 : vector<16xi1>, vector<16xf32>
      %select_n3A_241 = arith.select %gt3A_234, %select_n3A_228, %select_n3A_240 : vector<16xi1>, vector<16xf32>
      %jit3A_242 = arith.constant 11 : i32
      %broadcast_in_dim3A_243 = vector.broadcast %jit3A_242 : i32 to vector<16xi32>
      %select_n3A_244 = arith.select %gt3A_234, %broadcast_in_dim3A_243, %select_n3A_227 : vector<16xi1>, vector<16xi32>
      %select_n3A_245 = arith.select %gt3A_234, %get3A_233, %select_n3A_228 : vector<16xi1>, vector<16xf32>
      %get3A_246 = arith.constant 12 : i32
      %get3A_247 = arith.index_cast %get3A_246 : i32 to index
      %get3A_248 = arith.index_cast %mul3A_50 : i32 to index
      %get3A_249 = tpu.vector_load %arg5[%get3A_247, %get3A_248] {strides = array<i32>} : memref<64x1024xf32, #tpu.memory_space<vmem>>, vector<1x16xf32>,
      %get3A_250 = vector.shape_cast %get3A_249 : vector<1x16xf32> to vector<16xf32>
      %gt3A_251 = arith.cmpf ogt, %get3A_250, %select_n3A_245 : vector<16xf32>
      %gt3A_252 = arith.cmpf ogt, %get3A_250, %select_n3A_241 : vector<16xf32>
      %jit3A_253 = arith.constant 12 : i32
      %broadcast_in_dim3A_254 = vector.broadcast %jit3A_253 : i32 to vector<16xi32>
      %select_n3A_255 = arith.select %gt3A_252, %broadcast_in_dim3A_254, %select_n3A_239 : vector<16xi1>, vector<16xi32>
      %select_n3A_256 = arith.select %gt3A_251, %select_n3A_244, %select_n3A_255 : vector<16xi1>, vector<16xi32>
      %select_n3A_257 = arith.select %gt3A_252, %get3A_250, %select_n3A_241 : vector<16xi1>, vector<16xf32>
      %select_n3A_258 = arith.select %gt3A_251, %select_n3A_245, %select_n3A_257 : vector<16xi1>, vector<16xf32>
      %jit3A_259 = arith.constant 12 : i32
      %broadcast_in_dim3A_260 = vector.broadcast %jit3A_259 : i32 to vector<16xi32>
      %select_n3A_261 = arith.select %gt3A_251, %broadcast_in_dim3A_260, %select_n3A_244 : vector<16xi1>, vector<16xi32>
      %select_n3A_262 = arith.select %gt3A_251, %get3A_250, %select_n3A_245 : vector<16xi1>, vector<16xf32>
      %get3A_263 = arith.constant 13 : i32
      %get3A_264 = arith.index_cast %get3A_263 : i32 to index
      %get3A_265 = arith.index_cast %mul3A_50 : i32 to index
      %get3A_266 = tpu.vector_load %arg5[%get3A_264, %get3A_265] {strides = array<i32>} : memref<64x1024xf32, #tpu.memory_space<vmem>>, vector<1x16xf32>,
      %get3A_267 = vector.shape_cast %get3A_266 : vector<1x16xf32> to vector<16xf32>
      %gt3A_268 = arith.cmpf ogt, %get3A_267, %select_n3A_262 : vector<16xf32>
      %gt3A_269 = arith.cmpf ogt, %get3A_267, %select_n3A_258 : vector<16xf32>
      %jit3A_270 = arith.constant 13 : i32
      %broadcast_in_dim3A_271 = vector.broadcast %jit3A_270 : i32 to vector<16xi32>
      %select_n3A_272 = arith.select %gt3A_269, %broadcast_in_dim3A_271, %select_n3A_256 : vector<16xi1>, vector<16xi32>
      %select_n3A_273 = arith.select %gt3A_268, %select_n3A_261, %select_n3A_272 : vector<16xi1>, vector<16xi32>
      %select_n3A_274 = arith.select %gt3A_269, %get3A_267, %select_n3A_258 : vector<16xi1>, vector<16xf32>
      %select_n3A_275 = arith.select %gt3A_268, %select_n3A_262, %select_n3A_274 : vector<16xi1>, vector<16xf32>
      %jit3A_276 = arith.constant 13 : i32
      %broadcast_in_dim3A_277 = vector.broadcast %jit3A_276 : i32 to vector<16xi32>
      %select_n3A_278 = arith.select %gt3A_268, %broadcast_in_dim3A_277, %select_n3A_261 : vector<16xi1>, vector<16xi32>
      %select_n3A_279 = arith.select %gt3A_268, %get3A_267, %select_n3A_262 : vector<16xi1>, vector<16xf32>
      %get3A_280 = arith.constant 14 : i32
      %get3A_281 = arith.index_cast %get3A_280 : i32 to index
      %get3A_282 = arith.index_cast %mul3A_50 : i32 to index
      %get3A_283 = tpu.vector_load %arg5[%get3A_281, %get3A_282] {strides = array<i32>} : memref<64x1024xf32, #tpu.memory_space<vmem>>, vector<1x16xf32>,
      %get3A_284 = vector.shape_cast %get3A_283 : vector<1x16xf32> to vector<16xf32>
      %gt3A_285 = arith.cmpf ogt, %get3A_284, %select_n3A_279 : vector<16xf32>
      %gt3A_286 = arith.cmpf ogt, %get3A_284, %select_n3A_275 : vector<16xf32>
      %jit3A_287 = arith.constant 14 : i32
      %broadcast_in_dim3A_288 = vector.broadcast %jit3A_287 : i32 to vector<16xi32>
      %select_n3A_289 = arith.select %gt3A_286, %broadcast_in_dim3A_288, %select_n3A_273 : vector<16xi1>, vector<16xi32>
      %select_n3A_290 = arith.select %gt3A_285, %select_n3A_278, %select_n3A_289 : vector<16xi1>, vector<16xi32>
      %select_n3A_291 = arith.select %gt3A_286, %get3A_284, %select_n3A_275 : vector<16xi1>, vector<16xf32>
      %select_n3A_292 = arith.select %gt3A_285, %select_n3A_279, %select_n3A_291 : vector<16xi1>, vector<16xf32>
      %jit3A_293 = arith.constant 14 : i32
      %broadcast_in_dim3A_294 = vector.broadcast %jit3A_293 : i32 to vector<16xi32>
      %select_n3A_295 = arith.select %gt3A_285, %broadcast_in_dim3A_294, %select_n3A_278 : vector<16xi1>, vector<16xi32>
      %select_n3A_296 = arith.select %gt3A_285, %get3A_284, %select_n3A_279 : vector<16xi1>, vector<16xf32>
      %get3A_297 = arith.constant 15 : i32
      %get3A_298 = arith.index_cast %get3A_297 : i32 to index
      %get3A_299 = arith.index_cast %mul3A_50 : i32 to index
      %get3A_300 = tpu.vector_load %arg5[%get3A_298, %get3A_299] {strides = array<i32>} : memref<64x1024xf32, #tpu.memory_space<vmem>>, vector<1x16xf32>,
      %get3A_301 = vector.shape_cast %get3A_300 : vector<1x16xf32> to vector<16xf32>
      %gt3A_302 = arith.cmpf ogt, %get3A_301, %select_n3A_296 : vector<16xf32>
      %gt3A_303 = arith.cmpf ogt, %get3A_301, %select_n3A_292 : vector<16xf32>
      %jit3A_304 = arith.constant 15 : i32
      %broadcast_in_dim3A_305 = vector.broadcast %jit3A_304 : i32 to vector<16xi32>
      %select_n3A_306 = arith.select %gt3A_303, %broadcast_in_dim3A_305, %select_n3A_290 : vector<16xi1>, vector<16xi32>
      %select_n3A_307 = arith.select %gt3A_302, %select_n3A_295, %select_n3A_306 : vector<16xi1>, vector<16xi32>
      %select_n3A_308 = arith.select %gt3A_303, %get3A_301, %select_n3A_292 : vector<16xi1>, vector<16xf32>
      %select_n3A_309 = arith.select %gt3A_302, %select_n3A_296, %select_n3A_308 : vector<16xi1>, vector<16xf32>
      %jit3A_310 = arith.constant 15 : i32
      %broadcast_in_dim3A_311 = vector.broadcast %jit3A_310 : i32 to vector<16xi32>
      %select_n3A_312 = arith.select %gt3A_302, %broadcast_in_dim3A_311, %select_n3A_295 : vector<16xi1>, vector<16xi32>
      %select_n3A_313 = arith.select %gt3A_302, %get3A_301, %select_n3A_296 : vector<16xi1>, vector<16xf32>
      %get3A_314 = arith.constant 16 : i32
      %get3A_315 = arith.index_cast %get3A_314 : i32 to index
      %get3A_316 = arith.index_cast %mul3A_50 : i32 to index
      %get3A_317 = tpu.vector_load %arg5[%get3A_315, %get3A_316] {strides = array<i32>} : memref<64x1024xf32, #tpu.memory_space<vmem>>, vector<1x16xf32>,
      %get3A_318 = vector.shape_cast %get3A_317 : vector<1x16xf32> to vector<16xf32>
      %gt3A_319 = arith.cmpf ogt, %get3A_318, %select_n3A_313 : vector<16xf32>
      %gt3A_320 = arith.cmpf ogt, %get3A_318, %select_n3A_309 : vector<16xf32>
      %jit3A_321 = arith.constant 16 : i32
      %broadcast_in_dim3A_322 = vector.broadcast %jit3A_321 : i32 to vector<16xi32>
      %select_n3A_323 = arith.select %gt3A_320, %broadcast_in_dim3A_322, %select_n3A_307 : vector<16xi1>, vector<16xi32>
      %select_n3A_324 = arith.select %gt3A_319, %select_n3A_312, %select_n3A_323 : vector<16xi1>, vector<16xi32>
      %select_n3A_325 = arith.select %gt3A_320, %get3A_318, %select_n3A_309 : vector<16xi1>, vector<16xf32>
      %select_n3A_326 = arith.select %gt3A_319, %select_n3A_313, %select_n3A_325 : vector<16xi1>, vector<16xf32>
      %jit3A_327 = arith.constant 16 : i32
      %broadcast_in_dim3A_328 = vector.broadcast %jit3A_327 : i32 to vector<16xi32>
      %select_n3A_329 = arith.select %gt3A_319, %broadcast_in_dim3A_328, %select_n3A_312 : vector<16xi1>, vector<16xi32>
      %select_n3A_330 = arith.select %gt3A_319, %get3A_318, %select_n3A_313 : vector<16xi1>, vector<16xf32>
      %get3A_331 = arith.constant 17 : i32
      %get3A_332 = arith.index_cast %get3A_331 : i32 to index
      %get3A_333 = arith.index_cast %mul3A_50 : i32 to index
      %get3A_334 = tpu.vector_load %arg5[%get3A_332, %get3A_333] {strides = array<i32>} : memref<64x1024xf32, #tpu.memory_space<vmem>>, vector<1x16xf32>,
      %get3A_335 = vector.shape_cast %get3A_334 : vector<1x16xf32> to vector<16xf32>
      %gt3A_336 = arith.cmpf ogt, %get3A_335, %select_n3A_330 : vector<16xf32>
      %gt3A_337 = arith.cmpf ogt, %get3A_335, %select_n3A_326 : vector<16xf32>
      %jit3A_338 = arith.constant 17 : i32
      %broadcast_in_dim3A_339 = vector.broadcast %jit3A_338 : i32 to vector<16xi32>
      %select_n3A_340 = arith.select %gt3A_337, %broadcast_in_dim3A_339, %select_n3A_324 : vector<16xi1>, vector<16xi32>
      %select_n3A_341 = arith.select %gt3A_336, %select_n3A_329, %select_n3A_340 : vector<16xi1>, vector<16xi32>
      %select_n3A_342 = arith.select %gt3A_337, %get3A_335, %select_n3A_326 : vector<16xi1>, vector<16xf32>
      %select_n3A_343 = arith.select %gt3A_336, %select_n3A_330, %select_n3A_342 : vector<16xi1>, vector<16xf32>
      %jit3A_344 = arith.constant 17 : i32
      %broadcast_in_dim3A_345 = vector.broadcast %jit3A_344 : i32 to vector<16xi32>
      %select_n3A_346 = arith.select %gt3A_336, %broadcast_in_dim3A_345, %select_n3A_329 : vector<16xi1>, vector<16xi32>
      %select_n3A_347 = arith.select %gt3A_336, %get3A_335, %select_n3A_330 : vector<16xi1>, vector<16xf32>
      %get3A_348 = arith.constant 18 : i32
      %get3A_349 = arith.index_cast %get3A_348 : i32 to index
      %get3A_350 = arith.index_cast %mul3A_50 : i32 to index
      %get3A_351 = tpu.vector_load %arg5[%get3A_349, %get3A_350] {strides = array<i32>} : memref<64x1024xf32, #tpu.memory_space<vmem>>, vector<1x16xf32>,
      %get3A_352 = vector.shape_cast %get3A_351 : vector<1x16xf32> to vector<16xf32>
      %gt3A_353 = arith.cmpf ogt, %get3A_352, %select_n3A_347 : vector<16xf32>
      %gt3A_354 = arith.cmpf ogt, %get3A_352, %select_n3A_343 : vector<16xf32>
      %jit3A_355 = arith.constant 18 : i32
      %broadcast_in_dim3A_356 = vector.broadcast %jit3A_355 : i32 to vector<16xi32>
      %select_n3A_357 = arith.select %gt3A_354, %broadcast_in_dim3A_356, %select_n3A_341 : vector<16xi1>, vector<16xi32>
      %select_n3A_358 = arith.select %gt3A_353, %select_n3A_346, %select_n3A_357 : vector<16xi1>, vector<16xi32>
      %select_n3A_359 = arith.select %gt3A_354, %get3A_352, %select_n3A_343 : vector<16xi1>, vector<16xf32>
      %select_n3A_360 = arith.select %gt3A_353, %select_n3A_347, %select_n3A_359 : vector<16xi1>, vector<16xf32>
      %jit3A_361 = arith.constant 18 : i32
      %broadcast_in_dim3A_362 = vector.broadcast %jit3A_361 : i32 to vector<16xi32>
      %select_n3A_363 = arith.select %gt3A_353, %broadcast_in_dim3A_362, %select_n3A_346 : vector<16xi1>, vector<16xi32>
      %select_n3A_364 = arith.select %gt3A_353, %get3A_352, %select_n3A_347 : vector<16xi1>, vector<16xf32>
      %get3A_365 = arith.constant 19 : i32
      %get3A_366 = arith.index_cast %get3A_365 : i32 to index
      %get3A_367 = arith.index_cast %mul3A_50 : i32 to index
      %get3A_368 = tpu.vector_load %arg5[%get3A_366, %get3A_367] {strides = array<i32>} : memref<64x1024xf32, #tpu.memory_space<vmem>>, vector<1x16xf32>,
      %get3A_369 = vector.shape_cast %get3A_368 : vector<1x16xf32> to vector<16xf32>
      %gt3A_370 = arith.cmpf ogt, %get3A_369, %select_n3A_364 : vector<16xf32>
      %gt3A_371 = arith.cmpf ogt, %get3A_369, %select_n3A_360 : vector<16xf32>
      %jit3A_372 = arith.constant 19 : i32
      %broadcast_in_dim3A_373 = vector.broadcast %jit3A_372 : i32 to vector<16xi32>
      %select_n3A_374 = arith.select %gt3A_371, %broadcast_in_dim3A_373, %select_n3A_358 : vector<16xi1>, vector<16xi32>
      %select_n3A_375 = arith.select %gt3A_370, %select_n3A_363, %select_n3A_374 : vector<16xi1>, vector<16xi32>
      %select_n3A_376 = arith.select %gt3A_371, %get3A_369, %select_n3A_360 : vector<16xi1>, vector<16xf32>
      %select_n3A_377 = arith.select %gt3A_370, %select_n3A_364, %select_n3A_376 : vector<16xi1>, vector<16xf32>
      %jit3A_378 = arith.constant 19 : i32
      %broadcast_in_dim3A_379 = vector.broadcast %jit3A_378 : i32 to vector<16xi32>
      %select_n3A_380 = arith.select %gt3A_370, %broadcast_in_dim3A_379, %select_n3A_363 : vector<16xi1>, vector<16xi32>
      %select_n3A_381 = arith.select %gt3A_370, %get3A_369, %select_n3A_364 : vector<16xi1>, vector<16xf32>
      %get3A_382 = arith.constant 20 : i32
      %get3A_383 = arith.index_cast %get3A_382 : i32 to index
      %get3A_384 = arith.index_cast %mul3A_50 : i32 to index
      %get3A_385 = tpu.vector_load %arg5[%get3A_383, %get3A_384] {strides = array<i32>} : memref<64x1024xf32, #tpu.memory_space<vmem>>, vector<1x16xf32>,
      %get3A_386 = vector.shape_cast %get3A_385 : vector<1x16xf32> to vector<16xf32>
      %gt3A_387 = arith.cmpf ogt, %get3A_386, %select_n3A_381 : vector<16xf32>
      %gt3A_388 = arith.cmpf ogt, %get3A_386, %select_n3A_377 : vector<16xf32>
      %jit3A_389 = arith.constant 20 : i32
      %broadcast_in_dim3A_390 = vector.broadcast %jit3A_389 : i32 to vector<16xi32>
      %select_n3A_391 = arith.select %gt3A_388, %broadcast_in_dim3A_390, %select_n3A_375 : vector<16xi1>, vector<16xi32>
      %select_n3A_392 = arith.select %gt3A_387, %select_n3A_380, %select_n3A_391 : vector<16xi1>, vector<16xi32>
      %select_n3A_393 = arith.select %gt3A_388, %get3A_386, %select_n3A_377 : vector<16xi1>, vector<16xf32>
      %select_n3A_394 = arith.select %gt3A_387, %select_n3A_381, %select_n3A_393 : vector<16xi1>, vector<16xf32>
      %jit3A_395 = arith.constant 20 : i32
      %broadcast_in_dim3A_396 = vector.broadcast %jit3A_395 : i32 to vector<16xi32>
      %select_n3A_397 = arith.select %gt3A_387, %broadcast_in_dim3A_396, %select_n3A_380 : vector<16xi1>, vector<16xi32>
      %select_n3A_398 = arith.select %gt3A_387, %get3A_386, %select_n3A_381 : vector<16xi1>, vector<16xf32>
      %get3A_399 = arith.constant 21 : i32
      %get3A_400 = arith.index_cast %get3A_399 : i32 to index
      %get3A_401 = arith.index_cast %mul3A_50 : i32 to index
      %get3A_402 = tpu.vector_load %arg5[%get3A_400, %get3A_401] {strides = array<i32>} : memref<64x1024xf32, #tpu.memory_space<vmem>>, vector<1x16xf32>,
      %get3A_403 = vector.shape_cast %get3A_402 : vector<1x16xf32> to vector<16xf32>
      %gt3A_404 = arith.cmpf ogt, %get3A_403, %select_n3A_398 : vector<16xf32>
      %gt3A_405 = arith.cmpf ogt, %get3A_403, %select_n3A_394 : vector<16xf32>
      %jit3A_406 = arith.constant 21 : i32
      %broadcast_in_dim3A_407 = vector.broadcast %jit3A_406 : i32 to vector<16xi32>
      %select_n3A_408 = arith.select %gt3A_405, %broadcast_in_dim3A_407, %select_n3A_392 : vector<16xi1>, vector<16xi32>
      %select_n3A_409 = arith.select %gt3A_404, %select_n3A_397, %select_n3A_408 : vector<16xi1>, vector<16xi32>
      %select_n3A_410 = arith.select %gt3A_405, %get3A_403, %select_n3A_394 : vector<16xi1>, vector<16xf32>
      %select_n3A_411 = arith.select %gt3A_404, %select_n3A_398, %select_n3A_410 : vector<16xi1>, vector<16xf32>
      %jit3A_412 = arith.constant 21 : i32
      %broadcast_in_dim3A_413 = vector.broadcast %jit3A_412 : i32 to vector<16xi32>
      %select_n3A_414 = arith.select %gt3A_404, %broadcast_in_dim3A_413, %select_n3A_397 : vector<16xi1>, vector<16xi32>
      %select_n3A_415 = arith.select %gt3A_404, %get3A_403, %select_n3A_398 : vector<16xi1>, vector<16xf32>
      %get3A_416 = arith.constant 22 : i32
      %get3A_417 = arith.index_cast %get3A_416 : i32 to index
      %get3A_418 = arith.index_cast %mul3A_50 : i32 to index
      %get3A_419 = tpu.vector_load %arg5[%get3A_417, %get3A_418] {strides = array<i32>} : memref<64x1024xf32, #tpu.memory_space<vmem>>, vector<1x16xf32>,
      %get3A_420 = vector.shape_cast %get3A_419 : vector<1x16xf32> to vector<16xf32>
      %gt3A_421 = arith.cmpf ogt, %get3A_420, %select_n3A_415 : vector<16xf32>
      %gt3A_422 = arith.cmpf ogt, %get3A_420, %select_n3A_411 : vector<16xf32>
      %jit3A_423 = arith.constant 22 : i32
      %broadcast_in_dim3A_424 = vector.broadcast %jit3A_423 : i32 to vector<16xi32>
      %select_n3A_425 = arith.select %gt3A_422, %broadcast_in_dim3A_424, %select_n3A_409 : vector<16xi1>, vector<16xi32>
      %select_n3A_426 = arith.select %gt3A_421, %select_n3A_414, %select_n3A_425 : vector<16xi1>, vector<16xi32>
      %select_n3A_427 = arith.select %gt3A_422, %get3A_420, %select_n3A_411 : vector<16xi1>, vector<16xf32>
      %select_n3A_428 = arith.select %gt3A_421, %select_n3A_415, %select_n3A_427 : vector<16xi1>, vector<16xf32>
      %jit3A_429 = arith.constant 22 : i32
      %broadcast_in_dim3A_430 = vector.broadcast %jit3A_429 : i32 to vector<16xi32>
      %select_n3A_431 = arith.select %gt3A_421, %broadcast_in_dim3A_430, %select_n3A_414 : vector<16xi1>, vector<16xi32>
      %select_n3A_432 = arith.select %gt3A_421, %get3A_420, %select_n3A_415 : vector<16xi1>, vector<16xf32>
      %get3A_433 = arith.constant 23 : i32
      %get3A_434 = arith.index_cast %get3A_433 : i32 to index
      %get3A_435 = arith.index_cast %mul3A_50 : i32 to index
      %get3A_436 = tpu.vector_load %arg5[%get3A_434, %get3A_435] {strides = array<i32>} : memref<64x1024xf32, #tpu.memory_space<vmem>>, vector<1x16xf32>,
      %get3A_437 = vector.shape_cast %get3A_436 : vector<1x16xf32> to vector<16xf32>
      %gt3A_438 = arith.cmpf ogt, %get3A_437, %select_n3A_432 : vector<16xf32>
      %gt3A_439 = arith.cmpf ogt, %get3A_437, %select_n3A_428 : vector<16xf32>
      %jit3A_440 = arith.constant 23 : i32
      %broadcast_in_dim3A_441 = vector.broadcast %jit3A_440 : i32 to vector<16xi32>
      %select_n3A_442 = arith.select %gt3A_439, %broadcast_in_dim3A_441, %select_n3A_426 : vector<16xi1>, vector<16xi32>
      %select_n3A_443 = arith.select %gt3A_438, %select_n3A_431, %select_n3A_442 : vector<16xi1>, vector<16xi32>
      %select_n3A_444 = arith.select %gt3A_439, %get3A_437, %select_n3A_428 : vector<16xi1>, vector<16xf32>
      %select_n3A_445 = arith.select %gt3A_438, %select_n3A_432, %select_n3A_444 : vector<16xi1>, vector<16xf32>
      %jit3A_446 = arith.constant 23 : i32
      %broadcast_in_dim3A_447 = vector.broadcast %jit3A_446 : i32 to vector<16xi32>
      %select_n3A_448 = arith.select %gt3A_438, %broadcast_in_dim3A_447, %select_n3A_431 : vector<16xi1>, vector<16xi32>
      %select_n3A_449 = arith.select %gt3A_438, %get3A_437, %select_n3A_432 : vector<16xi1>, vector<16xf32>
      %get3A_450 = arith.constant 24 : i32
      %get3A_451 = arith.index_cast %get3A_450 : i32 to index
      %get3A_452 = arith.index_cast %mul3A_50 : i32 to index
      %get3A_453 = tpu.vector_load %arg5[%get3A_451, %get3A_452] {strides = array<i32>} : memref<64x1024xf32, #tpu.memory_space<vmem>>, vector<1x16xf32>,
      %get3A_454 = vector.shape_cast %get3A_453 : vector<1x16xf32> to vector<16xf32>
      %gt3A_455 = arith.cmpf ogt, %get3A_454, %select_n3A_449 : vector<16xf32>
      %gt3A_456 = arith.cmpf ogt, %get3A_454, %select_n3A_445 : vector<16xf32>
      %jit3A_457 = arith.constant 24 : i32
      %broadcast_in_dim3A_458 = vector.broadcast %jit3A_457 : i32 to vector<16xi32>
      %select_n3A_459 = arith.select %gt3A_456, %broadcast_in_dim3A_458, %select_n3A_443 : vector<16xi1>, vector<16xi32>
      %select_n3A_460 = arith.select %gt3A_455, %select_n3A_448, %select_n3A_459 : vector<16xi1>, vector<16xi32>
      %select_n3A_461 = arith.select %gt3A_456, %get3A_454, %select_n3A_445 : vector<16xi1>, vector<16xf32>
      %select_n3A_462 = arith.select %gt3A_455, %select_n3A_449, %select_n3A_461 : vector<16xi1>, vector<16xf32>
      %jit3A_463 = arith.constant 24 : i32
      %broadcast_in_dim3A_464 = vector.broadcast %jit3A_463 : i32 to vector<16xi32>
      %select_n3A_465 = arith.select %gt3A_455, %broadcast_in_dim3A_464, %select_n3A_448 : vector<16xi1>, vector<16xi32>
      %select_n3A_466 = arith.select %gt3A_455, %get3A_454, %select_n3A_449 : vector<16xi1>, vector<16xf32>
      %get3A_467 = arith.constant 25 : i32
      %get3A_468 = arith.index_cast %get3A_467 : i32 to index
      %get3A_469 = arith.index_cast %mul3A_50 : i32 to index
      %get3A_470 = tpu.vector_load %arg5[%get3A_468, %get3A_469] {strides = array<i32>} : memref<64x1024xf32, #tpu.memory_space<vmem>>, vector<1x16xf32>,
      %get3A_471 = vector.shape_cast %get3A_470 : vector<1x16xf32> to vector<16xf32>
      %gt3A_472 = arith.cmpf ogt, %get3A_471, %select_n3A_466 : vector<16xf32>
      %gt3A_473 = arith.cmpf ogt, %get3A_471, %select_n3A_462 : vector<16xf32>
      %jit3A_474 = arith.constant 25 : i32
      %broadcast_in_dim3A_475 = vector.broadcast %jit3A_474 : i32 to vector<16xi32>
      %select_n3A_476 = arith.select %gt3A_473, %broadcast_in_dim3A_475, %select_n3A_460 : vector<16xi1>, vector<16xi32>
      %select_n3A_477 = arith.select %gt3A_472, %select_n3A_465, %select_n3A_476 : vector<16xi1>, vector<16xi32>
      %select_n3A_478 = arith.select %gt3A_473, %get3A_471, %select_n3A_462 : vector<16xi1>, vector<16xf32>
      %select_n3A_479 = arith.select %gt3A_472, %select_n3A_466, %select_n3A_478 : vector<16xi1>, vector<16xf32>
      %jit3A_480 = arith.constant 25 : i32
      %broadcast_in_dim3A_481 = vector.broadcast %jit3A_480 : i32 to vector<16xi32>
      %select_n3A_482 = arith.select %gt3A_472, %broadcast_in_dim3A_481, %select_n3A_465 : vector<16xi1>, vector<16xi32>
      %select_n3A_483 = arith.select %gt3A_472, %get3A_471, %select_n3A_466 : vector<16xi1>, vector<16xf32>
      %get3A_484 = arith.constant 26 : i32
      %get3A_485 = arith.index_cast %get3A_484 : i32 to index
      %get3A_486 = arith.index_cast %mul3A_50 : i32 to index
      %get3A_487 = tpu.vector_load %arg5[%get3A_485, %get3A_486] {strides = array<i32>} : memref<64x1024xf32, #tpu.memory_space<vmem>>, vector<1x16xf32>,
      %get3A_488 = vector.shape_cast %get3A_487 : vector<1x16xf32> to vector<16xf32>
      %gt3A_489 = arith.cmpf ogt, %get3A_488, %select_n3A_483 : vector<16xf32>
      %gt3A_490 = arith.cmpf ogt, %get3A_488, %select_n3A_479 : vector<16xf32>
      %jit3A_491 = arith.constant 26 : i32
      %broadcast_in_dim3A_492 = vector.broadcast %jit3A_491 : i32 to vector<16xi32>
      %select_n3A_493 = arith.select %gt3A_490, %broadcast_in_dim3A_492, %select_n3A_477 : vector<16xi1>, vector<16xi32>
      %select_n3A_494 = arith.select %gt3A_489, %select_n3A_482, %select_n3A_493 : vector<16xi1>, vector<16xi32>
      %select_n3A_495 = arith.select %gt3A_490, %get3A_488, %select_n3A_479 : vector<16xi1>, vector<16xf32>
      %select_n3A_496 = arith.select %gt3A_489, %select_n3A_483, %select_n3A_495 : vector<16xi1>, vector<16xf32>
      %jit3A_497 = arith.constant 26 : i32
      %broadcast_in_dim3A_498 = vector.broadcast %jit3A_497 : i32 to vector<16xi32>
      %select_n3A_499 = arith.select %gt3A_489, %broadcast_in_dim3A_498, %select_n3A_482 : vector<16xi1>, vector<16xi32>
      %select_n3A_500 = arith.select %gt3A_489, %get3A_488, %select_n3A_483 : vector<16xi1>, vector<16xf32>
      %get3A_501 = arith.constant 27 : i32
      %get3A_502 = arith.index_cast %get3A_501 : i32 to index
      %get3A_503 = arith.index_cast %mul3A_50 : i32 to index
      %get3A_504 = tpu.vector_load %arg5[%get3A_502, %get3A_503] {strides = array<i32>} : memref<64x1024xf32, #tpu.memory_space<vmem>>, vector<1x16xf32>,
      %get3A_505 = vector.shape_cast %get3A_504 : vector<1x16xf32> to vector<16xf32>
      %gt3A_506 = arith.cmpf ogt, %get3A_505, %select_n3A_500 : vector<16xf32>
      %gt3A_507 = arith.cmpf ogt, %get3A_505, %select_n3A_496 : vector<16xf32>
      %jit3A_508 = arith.constant 27 : i32
      %broadcast_in_dim3A_509 = vector.broadcast %jit3A_508 : i32 to vector<16xi32>
      %select_n3A_510 = arith.select %gt3A_507, %broadcast_in_dim3A_509, %select_n3A_494 : vector<16xi1>, vector<16xi32>
      %select_n3A_511 = arith.select %gt3A_506, %select_n3A_499, %select_n3A_510 : vector<16xi1>, vector<16xi32>
      %select_n3A_512 = arith.select %gt3A_507, %get3A_505, %select_n3A_496 : vector<16xi1>, vector<16xf32>
      %select_n3A_513 = arith.select %gt3A_506, %select_n3A_500, %select_n3A_512 : vector<16xi1>, vector<16xf32>
      %jit3A_514 = arith.constant 27 : i32
      %broadcast_in_dim3A_515 = vector.broadcast %jit3A_514 : i32 to vector<16xi32>
      %select_n3A_516 = arith.select %gt3A_506, %broadcast_in_dim3A_515, %select_n3A_499 : vector<16xi1>, vector<16xi32>
      %select_n3A_517 = arith.select %gt3A_506, %get3A_505, %select_n3A_500 : vector<16xi1>, vector<16xf32>
      %get3A_518 = arith.constant 28 : i32
      %get3A_519 = arith.index_cast %get3A_518 : i32 to index
      %get3A_520 = arith.index_cast %mul3A_50 : i32 to index
      %get3A_521 = tpu.vector_load %arg5[%get3A_519, %get3A_520] {strides = array<i32>} : memref<64x1024xf32, #tpu.memory_space<vmem>>, vector<1x16xf32>,
      %get3A_522 = vector.shape_cast %get3A_521 : vector<1x16xf32> to vector<16xf32>
      %gt3A_523 = arith.cmpf ogt, %get3A_522, %select_n3A_517 : vector<16xf32>
      %gt3A_524 = arith.cmpf ogt, %get3A_522, %select_n3A_513 : vector<16xf32>
      %jit3A_525 = arith.constant 28 : i32
      %broadcast_in_dim3A_526 = vector.broadcast %jit3A_525 : i32 to vector<16xi32>
      %select_n3A_527 = arith.select %gt3A_524, %broadcast_in_dim3A_526, %select_n3A_511 : vector<16xi1>, vector<16xi32>
      %select_n3A_528 = arith.select %gt3A_523, %select_n3A_516, %select_n3A_527 : vector<16xi1>, vector<16xi32>
      %select_n3A_529 = arith.select %gt3A_524, %get3A_522, %select_n3A_513 : vector<16xi1>, vector<16xf32>
      %select_n3A_530 = arith.select %gt3A_523, %select_n3A_517, %select_n3A_529 : vector<16xi1>, vector<16xf32>
      %jit3A_531 = arith.constant 28 : i32
      %broadcast_in_dim3A_532 = vector.broadcast %jit3A_531 : i32 to vector<16xi32>
      %select_n3A_533 = arith.select %gt3A_523, %broadcast_in_dim3A_532, %select_n3A_516 : vector<16xi1>, vector<16xi32>
      %select_n3A_534 = arith.select %gt3A_523, %get3A_522, %select_n3A_517 : vector<16xi1>, vector<16xf32>
      %get3A_535 = arith.constant 29 : i32
      %get3A_536 = arith.index_cast %get3A_535 : i32 to index
      %get3A_537 = arith.index_cast %mul3A_50 : i32 to index
      %get3A_538 = tpu.vector_load %arg5[%get3A_536, %get3A_537] {strides = array<i32>} : memref<64x1024xf32, #tpu.memory_space<vmem>>, vector<1x16xf32>,
      %get3A_539 = vector.shape_cast %get3A_538 : vector<1x16xf32> to vector<16xf32>
      %gt3A_540 = arith.cmpf ogt, %get3A_539, %select_n3A_534 : vector<16xf32>
      %gt3A_541 = arith.cmpf ogt, %get3A_539, %select_n3A_530 : vector<16xf32>
      %jit3A_542 = arith.constant 29 : i32
      %broadcast_in_dim3A_543 = vector.broadcast %jit3A_542 : i32 to vector<16xi32>
      %select_n3A_544 = arith.select %gt3A_541, %broadcast_in_dim3A_543, %select_n3A_528 : vector<16xi1>, vector<16xi32>
      %select_n3A_545 = arith.select %gt3A_540, %select_n3A_533, %select_n3A_544 : vector<16xi1>, vector<16xi32>
      %select_n3A_546 = arith.select %gt3A_541, %get3A_539, %select_n3A_530 : vector<16xi1>, vector<16xf32>
      %select_n3A_547 = arith.select %gt3A_540, %select_n3A_534, %select_n3A_546 : vector<16xi1>, vector<16xf32>
      %jit3A_548 = arith.constant 29 : i32
      %broadcast_in_dim3A_549 = vector.broadcast %jit3A_548 : i32 to vector<16xi32>
      %select_n3A_550 = arith.select %gt3A_540, %broadcast_in_dim3A_549, %select_n3A_533 : vector<16xi1>, vector<16xi32>
      %select_n3A_551 = arith.select %gt3A_540, %get3A_539, %select_n3A_534 : vector<16xi1>, vector<16xf32>
      %get3A_552 = arith.constant 30 : i32
      %get3A_553 = arith.index_cast %get3A_552 : i32 to index
      %get3A_554 = arith.index_cast %mul3A_50 : i32 to index
      %get3A_555 = tpu.vector_load %arg5[%get3A_553, %get3A_554] {strides = array<i32>} : memref<64x1024xf32, #tpu.memory_space<vmem>>, vector<1x16xf32>,
      %get3A_556 = vector.shape_cast %get3A_555 : vector<1x16xf32> to vector<16xf32>
      %gt3A_557 = arith.cmpf ogt, %get3A_556, %select_n3A_551 : vector<16xf32>
      %gt3A_558 = arith.cmpf ogt, %get3A_556, %select_n3A_547 : vector<16xf32>
      %jit3A_559 = arith.constant 30 : i32
      %broadcast_in_dim3A_560 = vector.broadcast %jit3A_559 : i32 to vector<16xi32>
      %select_n3A_561 = arith.select %gt3A_558, %broadcast_in_dim3A_560, %select_n3A_545 : vector<16xi1>, vector<16xi32>
      %select_n3A_562 = arith.select %gt3A_557, %select_n3A_550, %select_n3A_561 : vector<16xi1>, vector<16xi32>
      %select_n3A_563 = arith.select %gt3A_558, %get3A_556, %select_n3A_547 : vector<16xi1>, vector<16xf32>
      %select_n3A_564 = arith.select %gt3A_557, %select_n3A_551, %select_n3A_563 : vector<16xi1>, vector<16xf32>
      %jit3A_565 = arith.constant 30 : i32
      %broadcast_in_dim3A_566 = vector.broadcast %jit3A_565 : i32 to vector<16xi32>
      %select_n3A_567 = arith.select %gt3A_557, %broadcast_in_dim3A_566, %select_n3A_550 : vector<16xi1>, vector<16xi32>
      %select_n3A_568 = arith.select %gt3A_557, %get3A_556, %select_n3A_551 : vector<16xi1>, vector<16xf32>
      %get3A_569 = arith.constant 31 : i32
      %get3A_570 = arith.index_cast %get3A_569 : i32 to index
      %get3A_571 = arith.index_cast %mul3A_50 : i32 to index
      %get3A_572 = tpu.vector_load %arg5[%get3A_570, %get3A_571] {strides = array<i32>} : memref<64x1024xf32, #tpu.memory_space<vmem>>, vector<1x16xf32>,
      %get3A_573 = vector.shape_cast %get3A_572 : vector<1x16xf32> to vector<16xf32>
      %gt3A_574 = arith.cmpf ogt, %get3A_573, %select_n3A_568 : vector<16xf32>
      %gt3A_575 = arith.cmpf ogt, %get3A_573, %select_n3A_564 : vector<16xf32>
      %jit3A_576 = arith.constant 31 : i32
      %broadcast_in_dim3A_577 = vector.broadcast %jit3A_576 : i32 to vector<16xi32>
      %select_n3A_578 = arith.select %gt3A_575, %broadcast_in_dim3A_577, %select_n3A_562 : vector<16xi1>, vector<16xi32>
      %select_n3A_579 = arith.select %gt3A_574, %select_n3A_567, %select_n3A_578 : vector<16xi1>, vector<16xi32>
      %select_n3A_580 = arith.select %gt3A_575, %get3A_573, %select_n3A_564 : vector<16xi1>, vector<16xf32>
      %select_n3A_581 = arith.select %gt3A_574, %select_n3A_568, %select_n3A_580 : vector<16xi1>, vector<16xf32>
      %jit3A_582 = arith.constant 31 : i32
      %broadcast_in_dim3A_583 = vector.broadcast %jit3A_582 : i32 to vector<16xi32>
      %select_n3A_584 = arith.select %gt3A_574, %broadcast_in_dim3A_583, %select_n3A_567 : vector<16xi1>, vector<16xi32>
      %select_n3A_585 = arith.select %gt3A_574, %get3A_573, %select_n3A_568 : vector<16xi1>, vector<16xf32>
      %get3A_586 = arith.constant 32 : i32
      %get3A_587 = arith.index_cast %get3A_586 : i32 to index
      %get3A_588 = arith.index_cast %mul3A_50 : i32 to index
      %get3A_589 = tpu.vector_load %arg5[%get3A_587, %get3A_588] {strides = array<i32>} : memref<64x1024xf32, #tpu.memory_space<vmem>>, vector<1x16xf32>,
      %get3A_590 = vector.shape_cast %get3A_589 : vector<1x16xf32> to vector<16xf32>
      %gt3A_591 = arith.cmpf ogt, %get3A_590, %select_n3A_585 : vector<16xf32>
      %gt3A_592 = arith.cmpf ogt, %get3A_590, %select_n3A_581 : vector<16xf32>
      %jit3A_593 = arith.constant 32 : i32
      %broadcast_in_dim3A_594 = vector.broadcast %jit3A_593 : i32 to vector<16xi32>
      %select_n3A_595 = arith.select %gt3A_592, %broadcast_in_dim3A_594, %select_n3A_579 : vector<16xi1>, vector<16xi32>
      %select_n3A_596 = arith.select %gt3A_591, %select_n3A_584, %select_n3A_595 : vector<16xi1>, vector<16xi32>
      %select_n3A_597 = arith.select %gt3A_592, %get3A_590, %select_n3A_581 : vector<16xi1>, vector<16xf32>
      %select_n3A_598 = arith.select %gt3A_591, %select_n3A_585, %select_n3A_597 : vector<16xi1>, vector<16xf32>
      %jit3A_599 = arith.constant 32 : i32
      %broadcast_in_dim3A_600 = vector.broadcast %jit3A_599 : i32 to vector<16xi32>
      %select_n3A_601 = arith.select %gt3A_591, %broadcast_in_dim3A_600, %select_n3A_584 : vector<16xi1>, vector<16xi32>
      %select_n3A_602 = arith.select %gt3A_591, %get3A_590, %select_n3A_585 : vector<16xi1>, vector<16xf32>
      %get3A_603 = arith.constant 33 : i32
      %get3A_604 = arith.index_cast %get3A_603 : i32 to index
      %get3A_605 = arith.index_cast %mul3A_50 : i32 to index
      %get3A_606 = tpu.vector_load %arg5[%get3A_604, %get3A_605] {strides = array<i32>} : memref<64x1024xf32, #tpu.memory_space<vmem>>, vector<1x16xf32>,
      %get3A_607 = vector.shape_cast %get3A_606 : vector<1x16xf32> to vector<16xf32>
      %gt3A_608 = arith.cmpf ogt, %get3A_607, %select_n3A_602 : vector<16xf32>
      %gt3A_609 = arith.cmpf ogt, %get3A_607, %select_n3A_598 : vector<16xf32>
      %jit3A_610 = arith.constant 33 : i32
      %broadcast_in_dim3A_611 = vector.broadcast %jit3A_610 : i32 to vector<16xi32>
      %select_n3A_612 = arith.select %gt3A_609, %broadcast_in_dim3A_611, %select_n3A_596 : vector<16xi1>, vector<16xi32>
      %select_n3A_613 = arith.select %gt3A_608, %select_n3A_601, %select_n3A_612 : vector<16xi1>, vector<16xi32>
      %select_n3A_614 = arith.select %gt3A_609, %get3A_607, %select_n3A_598 : vector<16xi1>, vector<16xf32>
      %select_n3A_615 = arith.select %gt3A_608, %select_n3A_602, %select_n3A_614 : vector<16xi1>, vector<16xf32>
      %jit3A_616 = arith.constant 33 : i32
      %broadcast_in_dim3A_617 = vector.broadcast %jit3A_616 : i32 to vector<16xi32>
      %select_n3A_618 = arith.select %gt3A_608, %broadcast_in_dim3A_617, %select_n3A_601 : vector<16xi1>, vector<16xi32>
      %select_n3A_619 = arith.select %gt3A_608, %get3A_607, %select_n3A_602 : vector<16xi1>, vector<16xf32>
      %get3A_620 = arith.constant 34 : i32
      %get3A_621 = arith.index_cast %get3A_620 : i32 to index
      %get3A_622 = arith.index_cast %mul3A_50 : i32 to index
      %get3A_623 = tpu.vector_load %arg5[%get3A_621, %get3A_622] {strides = array<i32>} : memref<64x1024xf32, #tpu.memory_space<vmem>>, vector<1x16xf32>,
      %get3A_624 = vector.shape_cast %get3A_623 : vector<1x16xf32> to vector<16xf32>
      %gt3A_625 = arith.cmpf ogt, %get3A_624, %select_n3A_619 : vector<16xf32>
      %gt3A_626 = arith.cmpf ogt, %get3A_624, %select_n3A_615 : vector<16xf32>
      %jit3A_627 = arith.constant 34 : i32
      %broadcast_in_dim3A_628 = vector.broadcast %jit3A_627 : i32 to vector<16xi32>
      %select_n3A_629 = arith.select %gt3A_626, %broadcast_in_dim3A_628, %select_n3A_613 : vector<16xi1>, vector<16xi32>
      %select_n3A_630 = arith.select %gt3A_625, %select_n3A_618, %select_n3A_629 : vector<16xi1>, vector<16xi32>
      %select_n3A_631 = arith.select %gt3A_626, %get3A_624, %select_n3A_615 : vector<16xi1>, vector<16xf32>
      %select_n3A_632 = arith.select %gt3A_625, %select_n3A_619, %select_n3A_631 : vector<16xi1>, vector<16xf32>
      %jit3A_633 = arith.constant 34 : i32
      %broadcast_in_dim3A_634 = vector.broadcast %jit3A_633 : i32 to vector<16xi32>
      %select_n3A_635 = arith.select %gt3A_625, %broadcast_in_dim3A_634, %select_n3A_618 : vector<16xi1>, vector<16xi32>
      %select_n3A_636 = arith.select %gt3A_625, %get3A_624, %select_n3A_619 : vector<16xi1>, vector<16xf32>
      %get3A_637 = arith.constant 35 : i32
      %get3A_638 = arith.index_cast %get3A_637 : i32 to index
      %get3A_639 = arith.index_cast %mul3A_50 : i32 to index
      %get3A_640 = tpu.vector_load %arg5[%get3A_638, %get3A_639] {strides = array<i32>} : memref<64x1024xf32, #tpu.memory_space<vmem>>, vector<1x16xf32>,
      %get3A_641 = vector.shape_cast %get3A_640 : vector<1x16xf32> to vector<16xf32>
      %gt3A_642 = arith.cmpf ogt, %get3A_641, %select_n3A_636 : vector<16xf32>
      %gt3A_643 = arith.cmpf ogt, %get3A_641, %select_n3A_632 : vector<16xf32>
      %jit3A_644 = arith.constant 35 : i32
      %broadcast_in_dim3A_645 = vector.broadcast %jit3A_644 : i32 to vector<16xi32>
      %select_n3A_646 = arith.select %gt3A_643, %broadcast_in_dim3A_645, %select_n3A_630 : vector<16xi1>, vector<16xi32>
      %select_n3A_647 = arith.select %gt3A_642, %select_n3A_635, %select_n3A_646 : vector<16xi1>, vector<16xi32>
      %select_n3A_648 = arith.select %gt3A_643, %get3A_641, %select_n3A_632 : vector<16xi1>, vector<16xf32>
      %select_n3A_649 = arith.select %gt3A_642, %select_n3A_636, %select_n3A_648 : vector<16xi1>, vector<16xf32>
      %jit3A_650 = arith.constant 35 : i32
      %broadcast_in_dim3A_651 = vector.broadcast %jit3A_650 : i32 to vector<16xi32>
      %select_n3A_652 = arith.select %gt3A_642, %broadcast_in_dim3A_651, %select_n3A_635 : vector<16xi1>, vector<16xi32>
      %select_n3A_653 = arith.select %gt3A_642, %get3A_641, %select_n3A_636 : vector<16xi1>, vector<16xf32>
      %get3A_654 = arith.constant 36 : i32
      %get3A_655 = arith.index_cast %get3A_654 : i32 to index
      %get3A_656 = arith.index_cast %mul3A_50 : i32 to index
      %get3A_657 = tpu.vector_load %arg5[%get3A_655, %get3A_656] {strides = array<i32>} : memref<64x1024xf32, #tpu.memory_space<vmem>>, vector<1x16xf32>,
      %get3A_658 = vector.shape_cast %get3A_657 : vector<1x16xf32> to vector<16xf32>
      %gt3A_659 = arith.cmpf ogt, %get3A_658, %select_n3A_653 : vector<16xf32>
      %gt3A_660 = arith.cmpf ogt, %get3A_658, %select_n3A_649 : vector<16xf32>
      %jit3A_661 = arith.constant 36 : i32
      %broadcast_in_dim3A_662 = vector.broadcast %jit3A_661 : i32 to vector<16xi32>
      %select_n3A_663 = arith.select %gt3A_660, %broadcast_in_dim3A_662, %select_n3A_647 : vector<16xi1>, vector<16xi32>
      %select_n3A_664 = arith.select %gt3A_659, %select_n3A_652, %select_n3A_663 : vector<16xi1>, vector<16xi32>
      %select_n3A_665 = arith.select %gt3A_660, %get3A_658, %select_n3A_649 : vector<16xi1>, vector<16xf32>
      %select_n3A_666 = arith.select %gt3A_659, %select_n3A_653, %select_n3A_665 : vector<16xi1>, vector<16xf32>
      %jit3A_667 = arith.constant 36 : i32
      %broadcast_in_dim3A_668 = vector.broadcast %jit3A_667 : i32 to vector<16xi32>
      %select_n3A_669 = arith.select %gt3A_659, %broadcast_in_dim3A_668, %select_n3A_652 : vector<16xi1>, vector<16xi32>
      %select_n3A_670 = arith.select %gt3A_659, %get3A_658, %select_n3A_653 : vector<16xi1>, vector<16xf32>
      %get3A_671 = arith.constant 37 : i32
      %get3A_672 = arith.index_cast %get3A_671 : i32 to index
      %get3A_673 = arith.index_cast %mul3A_50 : i32 to index
      %get3A_674 = tpu.vector_load %arg5[%get3A_672, %get3A_673] {strides = array<i32>} : memref<64x1024xf32, #tpu.memory_space<vmem>>, vector<1x16xf32>,
      %get3A_675 = vector.shape_cast %get3A_674 : vector<1x16xf32> to vector<16xf32>
      %gt3A_676 = arith.cmpf ogt, %get3A_675, %select_n3A_670 : vector<16xf32>
      %gt3A_677 = arith.cmpf ogt, %get3A_675, %select_n3A_666 : vector<16xf32>
      %jit3A_678 = arith.constant 37 : i32
      %broadcast_in_dim3A_679 = vector.broadcast %jit3A_678 : i32 to vector<16xi32>
      %select_n3A_680 = arith.select %gt3A_677, %broadcast_in_dim3A_679, %select_n3A_664 : vector<16xi1>, vector<16xi32>
      %select_n3A_681 = arith.select %gt3A_676, %select_n3A_669, %select_n3A_680 : vector<16xi1>, vector<16xi32>
      %select_n3A_682 = arith.select %gt3A_677, %get3A_675, %select_n3A_666 : vector<16xi1>, vector<16xf32>
      %select_n3A_683 = arith.select %gt3A_676, %select_n3A_670, %select_n3A_682 : vector<16xi1>, vector<16xf32>
      %jit3A_684 = arith.constant 37 : i32
      %broadcast_in_dim3A_685 = vector.broadcast %jit3A_684 : i32 to vector<16xi32>
      %select_n3A_686 = arith.select %gt3A_676, %broadcast_in_dim3A_685, %select_n3A_669 : vector<16xi1>, vector<16xi32>
      %select_n3A_687 = arith.select %gt3A_676, %get3A_675, %select_n3A_670 : vector<16xi1>, vector<16xf32>
      %get3A_688 = arith.constant 38 : i32
      %get3A_689 = arith.index_cast %get3A_688 : i32 to index
      %get3A_690 = arith.index_cast %mul3A_50 : i32 to index
      %get3A_691 = tpu.vector_load %arg5[%get3A_689, %get3A_690] {strides = array<i32>} : memref<64x1024xf32, #tpu.memory_space<vmem>>, vector<1x16xf32>,
      %get3A_692 = vector.shape_cast %get3A_691 : vector<1x16xf32> to vector<16xf32>
      %gt3A_693 = arith.cmpf ogt, %get3A_692, %select_n3A_687 : vector<16xf32>
      %gt3A_694 = arith.cmpf ogt, %get3A_692, %select_n3A_683 : vector<16xf32>
      %jit3A_695 = arith.constant 38 : i32
      %broadcast_in_dim3A_696 = vector.broadcast %jit3A_695 : i32 to vector<16xi32>
      %select_n3A_697 = arith.select %gt3A_694, %broadcast_in_dim3A_696, %select_n3A_681 : vector<16xi1>, vector<16xi32>
      %select_n3A_698 = arith.select %gt3A_693, %select_n3A_686, %select_n3A_697 : vector<16xi1>, vector<16xi32>
      %select_n3A_699 = arith.select %gt3A_694, %get3A_692, %select_n3A_683 : vector<16xi1>, vector<16xf32>
      %select_n3A_700 = arith.select %gt3A_693, %select_n3A_687, %select_n3A_699 : vector<16xi1>, vector<16xf32>
      %jit3A_701 = arith.constant 38 : i32
      %broadcast_in_dim3A_702 = vector.broadcast %jit3A_701 : i32 to vector<16xi32>
      %select_n3A_703 = arith.select %gt3A_693, %broadcast_in_dim3A_702, %select_n3A_686 : vector<16xi1>, vector<16xi32>
      %select_n3A_704 = arith.select %gt3A_693, %get3A_692, %select_n3A_687 : vector<16xi1>, vector<16xf32>
      %get3A_705 = arith.constant 39 : i32
      %get3A_706 = arith.index_cast %get3A_705 : i32 to index
      %get3A_707 = arith.index_cast %mul3A_50 : i32 to index
      %get3A_708 = tpu.vector_load %arg5[%get3A_706, %get3A_707] {strides = array<i32>} : memref<64x1024xf32, #tpu.memory_space<vmem>>, vector<1x16xf32>,
      %get3A_709 = vector.shape_cast %get3A_708 : vector<1x16xf32> to vector<16xf32>
      %gt3A_710 = arith.cmpf ogt, %get3A_709, %select_n3A_704 : vector<16xf32>
      %gt3A_711 = arith.cmpf ogt, %get3A_709, %select_n3A_700 : vector<16xf32>
      %jit3A_712 = arith.constant 39 : i32
      %broadcast_in_dim3A_713 = vector.broadcast %jit3A_712 : i32 to vector<16xi32>
      %select_n3A_714 = arith.select %gt3A_711, %broadcast_in_dim3A_713, %select_n3A_698 : vector<16xi1>, vector<16xi32>
      %select_n3A_715 = arith.select %gt3A_710, %select_n3A_703, %select_n3A_714 : vector<16xi1>, vector<16xi32>
      %select_n3A_716 = arith.select %gt3A_711, %get3A_709, %select_n3A_700 : vector<16xi1>, vector<16xf32>
      %select_n3A_717 = arith.select %gt3A_710, %select_n3A_704, %select_n3A_716 : vector<16xi1>, vector<16xf32>
      %jit3A_718 = arith.constant 39 : i32
      %broadcast_in_dim3A_719 = vector.broadcast %jit3A_718 : i32 to vector<16xi32>
      %select_n3A_720 = arith.select %gt3A_710, %broadcast_in_dim3A_719, %select_n3A_703 : vector<16xi1>, vector<16xi32>
      %select_n3A_721 = arith.select %gt3A_710, %get3A_709, %select_n3A_704 : vector<16xi1>, vector<16xf32>
      %get3A_722 = arith.constant 40 : i32
      %get3A_723 = arith.index_cast %get3A_722 : i32 to index
      %get3A_724 = arith.index_cast %mul3A_50 : i32 to index
      %get3A_725 = tpu.vector_load %arg5[%get3A_723, %get3A_724] {strides = array<i32>} : memref<64x1024xf32, #tpu.memory_space<vmem>>, vector<1x16xf32>,
      %get3A_726 = vector.shape_cast %get3A_725 : vector<1x16xf32> to vector<16xf32>
      %gt3A_727 = arith.cmpf ogt, %get3A_726, %select_n3A_721 : vector<16xf32>
      %gt3A_728 = arith.cmpf ogt, %get3A_726, %select_n3A_717 : vector<16xf32>
      %jit3A_729 = arith.constant 40 : i32
      %broadcast_in_dim3A_730 = vector.broadcast %jit3A_729 : i32 to vector<16xi32>
      %select_n3A_731 = arith.select %gt3A_728, %broadcast_in_dim3A_730, %select_n3A_715 : vector<16xi1>, vector<16xi32>
      %select_n3A_732 = arith.select %gt3A_727, %select_n3A_720, %select_n3A_731 : vector<16xi1>, vector<16xi32>
      %select_n3A_733 = arith.select %gt3A_728, %get3A_726, %select_n3A_717 : vector<16xi1>, vector<16xf32>
      %select_n3A_734 = arith.select %gt3A_727, %select_n3A_721, %select_n3A_733 : vector<16xi1>, vector<16xf32>
      %jit3A_735 = arith.constant 40 : i32
      %broadcast_in_dim3A_736 = vector.broadcast %jit3A_735 : i32 to vector<16xi32>
      %select_n3A_737 = arith.select %gt3A_727, %broadcast_in_dim3A_736, %select_n3A_720 : vector<16xi1>, vector<16xi32>
      %select_n3A_738 = arith.select %gt3A_727, %get3A_726, %select_n3A_721 : vector<16xi1>, vector<16xf32>
      %get3A_739 = arith.constant 41 : i32
      %get3A_740 = arith.index_cast %get3A_739 : i32 to index
      %get3A_741 = arith.index_cast %mul3A_50 : i32 to index
      %get3A_742 = tpu.vector_load %arg5[%get3A_740, %get3A_741] {strides = array<i32>} : memref<64x1024xf32, #tpu.memory_space<vmem>>, vector<1x16xf32>,
      %get3A_743 = vector.shape_cast %get3A_742 : vector<1x16xf32> to vector<16xf32>
      %gt3A_744 = arith.cmpf ogt, %get3A_743, %select_n3A_738 : vector<16xf32>
      %gt3A_745 = arith.cmpf ogt, %get3A_743, %select_n3A_734 : vector<16xf32>
      %jit3A_746 = arith.constant 41 : i32
      %broadcast_in_dim3A_747 = vector.broadcast %jit3A_746 : i32 to vector<16xi32>
      %select_n3A_748 = arith.select %gt3A_745, %broadcast_in_dim3A_747, %select_n3A_732 : vector<16xi1>, vector<16xi32>
      %select_n3A_749 = arith.select %gt3A_744, %select_n3A_737, %select_n3A_748 : vector<16xi1>, vector<16xi32>
      %select_n3A_750 = arith.select %gt3A_745, %get3A_743, %select_n3A_734 : vector<16xi1>, vector<16xf32>
      %select_n3A_751 = arith.select %gt3A_744, %select_n3A_738, %select_n3A_750 : vector<16xi1>, vector<16xf32>
      %jit3A_752 = arith.constant 41 : i32
      %broadcast_in_dim3A_753 = vector.broadcast %jit3A_752 : i32 to vector<16xi32>
      %select_n3A_754 = arith.select %gt3A_744, %broadcast_in_dim3A_753, %select_n3A_737 : vector<16xi1>, vector<16xi32>
      %select_n3A_755 = arith.select %gt3A_744, %get3A_743, %select_n3A_738 : vector<16xi1>, vector<16xf32>
      %get3A_756 = arith.constant 42 : i32
      %get3A_757 = arith.index_cast %get3A_756 : i32 to index
      %get3A_758 = arith.index_cast %mul3A_50 : i32 to index
      %get3A_759 = tpu.vector_load %arg5[%get3A_757, %get3A_758] {strides = array<i32>} : memref<64x1024xf32, #tpu.memory_space<vmem>>, vector<1x16xf32>,
      %get3A_760 = vector.shape_cast %get3A_759 : vector<1x16xf32> to vector<16xf32>
      %gt3A_761 = arith.cmpf ogt, %get3A_760, %select_n3A_755 : vector<16xf32>
      %gt3A_762 = arith.cmpf ogt, %get3A_760, %select_n3A_751 : vector<16xf32>
      %jit3A_763 = arith.constant 42 : i32
      %broadcast_in_dim3A_764 = vector.broadcast %jit3A_763 : i32 to vector<16xi32>
      %select_n3A_765 = arith.select %gt3A_762, %broadcast_in_dim3A_764, %select_n3A_749 : vector<16xi1>, vector<16xi32>
      %select_n3A_766 = arith.select %gt3A_761, %select_n3A_754, %select_n3A_765 : vector<16xi1>, vector<16xi32>
      %select_n3A_767 = arith.select %gt3A_762, %get3A_760, %select_n3A_751 : vector<16xi1>, vector<16xf32>
      %select_n3A_768 = arith.select %gt3A_761, %select_n3A_755, %select_n3A_767 : vector<16xi1>, vector<16xf32>
      %jit3A_769 = arith.constant 42 : i32
      %broadcast_in_dim3A_770 = vector.broadcast %jit3A_769 : i32 to vector<16xi32>
      %select_n3A_771 = arith.select %gt3A_761, %broadcast_in_dim3A_770, %select_n3A_754 : vector<16xi1>, vector<16xi32>
      %select_n3A_772 = arith.select %gt3A_761, %get3A_760, %select_n3A_755 : vector<16xi1>, vector<16xf32>
      %get3A_773 = arith.constant 43 : i32
      %get3A_774 = arith.index_cast %get3A_773 : i32 to index
      %get3A_775 = arith.index_cast %mul3A_50 : i32 to index
      %get3A_776 = tpu.vector_load %arg5[%get3A_774, %get3A_775] {strides = array<i32>} : memref<64x1024xf32, #tpu.memory_space<vmem>>, vector<1x16xf32>,
      %get3A_777 = vector.shape_cast %get3A_776 : vector<1x16xf32> to vector<16xf32>
      %gt3A_778 = arith.cmpf ogt, %get3A_777, %select_n3A_772 : vector<16xf32>
      %gt3A_779 = arith.cmpf ogt, %get3A_777, %select_n3A_768 : vector<16xf32>
      %jit3A_780 = arith.constant 43 : i32
      %broadcast_in_dim3A_781 = vector.broadcast %jit3A_780 : i32 to vector<16xi32>
      %select_n3A_782 = arith.select %gt3A_779, %broadcast_in_dim3A_781, %select_n3A_766 : vector<16xi1>, vector<16xi32>
      %select_n3A_783 = arith.select %gt3A_778, %select_n3A_771, %select_n3A_782 : vector<16xi1>, vector<16xi32>
      %select_n3A_784 = arith.select %gt3A_779, %get3A_777, %select_n3A_768 : vector<16xi1>, vector<16xf32>
      %select_n3A_785 = arith.select %gt3A_778, %select_n3A_772, %select_n3A_784 : vector<16xi1>, vector<16xf32>
      %jit3A_786 = arith.constant 43 : i32
      %broadcast_in_dim3A_787 = vector.broadcast %jit3A_786 : i32 to vector<16xi32>
      %select_n3A_788 = arith.select %gt3A_778, %broadcast_in_dim3A_787, %select_n3A_771 : vector<16xi1>, vector<16xi32>
      %select_n3A_789 = arith.select %gt3A_778, %get3A_777, %select_n3A_772 : vector<16xi1>, vector<16xf32>
      %get3A_790 = arith.constant 44 : i32
      %get3A_791 = arith.index_cast %get3A_790 : i32 to index
      %get3A_792 = arith.index_cast %mul3A_50 : i32 to index
      %get3A_793 = tpu.vector_load %arg5[%get3A_791, %get3A_792] {strides = array<i32>} : memref<64x1024xf32, #tpu.memory_space<vmem>>, vector<1x16xf32>,
      %get3A_794 = vector.shape_cast %get3A_793 : vector<1x16xf32> to vector<16xf32>
      %gt3A_795 = arith.cmpf ogt, %get3A_794, %select_n3A_789 : vector<16xf32>
      %gt3A_796 = arith.cmpf ogt, %get3A_794, %select_n3A_785 : vector<16xf32>
      %jit3A_797 = arith.constant 44 : i32
      %broadcast_in_dim3A_798 = vector.broadcast %jit3A_797 : i32 to vector<16xi32>
      %select_n3A_799 = arith.select %gt3A_796, %broadcast_in_dim3A_798, %select_n3A_783 : vector<16xi1>, vector<16xi32>
      %select_n3A_800 = arith.select %gt3A_795, %select_n3A_788, %select_n3A_799 : vector<16xi1>, vector<16xi32>
      %select_n3A_801 = arith.select %gt3A_796, %get3A_794, %select_n3A_785 : vector<16xi1>, vector<16xf32>
      %select_n3A_802 = arith.select %gt3A_795, %select_n3A_789, %select_n3A_801 : vector<16xi1>, vector<16xf32>
      %jit3A_803 = arith.constant 44 : i32
      %broadcast_in_dim3A_804 = vector.broadcast %jit3A_803 : i32 to vector<16xi32>
      %select_n3A_805 = arith.select %gt3A_795, %broadcast_in_dim3A_804, %select_n3A_788 : vector<16xi1>, vector<16xi32>
      %select_n3A_806 = arith.select %gt3A_795, %get3A_794, %select_n3A_789 : vector<16xi1>, vector<16xf32>
      %get3A_807 = arith.constant 45 : i32
      %get3A_808 = arith.index_cast %get3A_807 : i32 to index
      %get3A_809 = arith.index_cast %mul3A_50 : i32 to index
      %get3A_810 = tpu.vector_load %arg5[%get3A_808, %get3A_809] {strides = array<i32>} : memref<64x1024xf32, #tpu.memory_space<vmem>>, vector<1x16xf32>,
      %get3A_811 = vector.shape_cast %get3A_810 : vector<1x16xf32> to vector<16xf32>
      %gt3A_812 = arith.cmpf ogt, %get3A_811, %select_n3A_806 : vector<16xf32>
      %gt3A_813 = arith.cmpf ogt, %get3A_811, %select_n3A_802 : vector<16xf32>
      %jit3A_814 = arith.constant 45 : i32
      %broadcast_in_dim3A_815 = vector.broadcast %jit3A_814 : i32 to vector<16xi32>
      %select_n3A_816 = arith.select %gt3A_813, %broadcast_in_dim3A_815, %select_n3A_800 : vector<16xi1>, vector<16xi32>
      %select_n3A_817 = arith.select %gt3A_812, %select_n3A_805, %select_n3A_816 : vector<16xi1>, vector<16xi32>
      %select_n3A_818 = arith.select %gt3A_813, %get3A_811, %select_n3A_802 : vector<16xi1>, vector<16xf32>
      %select_n3A_819 = arith.select %gt3A_812, %select_n3A_806, %select_n3A_818 : vector<16xi1>, vector<16xf32>
      %jit3A_820 = arith.constant 45 : i32
      %broadcast_in_dim3A_821 = vector.broadcast %jit3A_820 : i32 to vector<16xi32>
      %select_n3A_822 = arith.select %gt3A_812, %broadcast_in_dim3A_821, %select_n3A_805 : vector<16xi1>, vector<16xi32>
      %select_n3A_823 = arith.select %gt3A_812, %get3A_811, %select_n3A_806 : vector<16xi1>, vector<16xf32>
      %get3A_824 = arith.constant 46 : i32
      %get3A_825 = arith.index_cast %get3A_824 : i32 to index
      %get3A_826 = arith.index_cast %mul3A_50 : i32 to index
      %get3A_827 = tpu.vector_load %arg5[%get3A_825, %get3A_826] {strides = array<i32>} : memref<64x1024xf32, #tpu.memory_space<vmem>>, vector<1x16xf32>,
      %get3A_828 = vector.shape_cast %get3A_827 : vector<1x16xf32> to vector<16xf32>
      %gt3A_829 = arith.cmpf ogt, %get3A_828, %select_n3A_823 : vector<16xf32>
      %gt3A_830 = arith.cmpf ogt, %get3A_828, %select_n3A_819 : vector<16xf32>
      %jit3A_831 = arith.constant 46 : i32
      %broadcast_in_dim3A_832 = vector.broadcast %jit3A_831 : i32 to vector<16xi32>
      %select_n3A_833 = arith.select %gt3A_830, %broadcast_in_dim3A_832, %select_n3A_817 : vector<16xi1>, vector<16xi32>
      %select_n3A_834 = arith.select %gt3A_829, %select_n3A_822, %select_n3A_833 : vector<16xi1>, vector<16xi32>
      %select_n3A_835 = arith.select %gt3A_830, %get3A_828, %select_n3A_819 : vector<16xi1>, vector<16xf32>
      %select_n3A_836 = arith.select %gt3A_829, %select_n3A_823, %select_n3A_835 : vector<16xi1>, vector<16xf32>
      %jit3A_837 = arith.constant 46 : i32
      %broadcast_in_dim3A_838 = vector.broadcast %jit3A_837 : i32 to vector<16xi32>
      %select_n3A_839 = arith.select %gt3A_829, %broadcast_in_dim3A_838, %select_n3A_822 : vector<16xi1>, vector<16xi32>
      %select_n3A_840 = arith.select %gt3A_829, %get3A_828, %select_n3A_823 : vector<16xi1>, vector<16xf32>
      %get3A_841 = arith.constant 47 : i32
      %get3A_842 = arith.index_cast %get3A_841 : i32 to index
      %get3A_843 = arith.index_cast %mul3A_50 : i32 to index
      %get3A_844 = tpu.vector_load %arg5[%get3A_842, %get3A_843] {strides = array<i32>} : memref<64x1024xf32, #tpu.memory_space<vmem>>, vector<1x16xf32>,
      %get3A_845 = vector.shape_cast %get3A_844 : vector<1x16xf32> to vector<16xf32>
      %gt3A_846 = arith.cmpf ogt, %get3A_845, %select_n3A_840 : vector<16xf32>
      %gt3A_847 = arith.cmpf ogt, %get3A_845, %select_n3A_836 : vector<16xf32>
      %jit3A_848 = arith.constant 47 : i32
      %broadcast_in_dim3A_849 = vector.broadcast %jit3A_848 : i32 to vector<16xi32>
      %select_n3A_850 = arith.select %gt3A_847, %broadcast_in_dim3A_849, %select_n3A_834 : vector<16xi1>, vector<16xi32>
      %select_n3A_851 = arith.select %gt3A_846, %select_n3A_839, %select_n3A_850 : vector<16xi1>, vector<16xi32>
      %select_n3A_852 = arith.select %gt3A_847, %get3A_845, %select_n3A_836 : vector<16xi1>, vector<16xf32>
      %select_n3A_853 = arith.select %gt3A_846, %select_n3A_840, %select_n3A_852 : vector<16xi1>, vector<16xf32>
      %jit3A_854 = arith.constant 47 : i32
      %broadcast_in_dim3A_855 = vector.broadcast %jit3A_854 : i32 to vector<16xi32>
      %select_n3A_856 = arith.select %gt3A_846, %broadcast_in_dim3A_855, %select_n3A_839 : vector<16xi1>, vector<16xi32>
      %select_n3A_857 = arith.select %gt3A_846, %get3A_845, %select_n3A_840 : vector<16xi1>, vector<16xf32>
      %get3A_858 = arith.constant 48 : i32
      %get3A_859 = arith.index_cast %get3A_858 : i32 to index
      %get3A_860 = arith.index_cast %mul3A_50 : i32 to index
      %get3A_861 = tpu.vector_load %arg5[%get3A_859, %get3A_860] {strides = array<i32>} : memref<64x1024xf32, #tpu.memory_space<vmem>>, vector<1x16xf32>,
      %get3A_862 = vector.shape_cast %get3A_861 : vector<1x16xf32> to vector<16xf32>
      %gt3A_863 = arith.cmpf ogt, %get3A_862, %select_n3A_857 : vector<16xf32>
      %gt3A_864 = arith.cmpf ogt, %get3A_862, %select_n3A_853 : vector<16xf32>
      %jit3A_865 = arith.constant 48 : i32
      %broadcast_in_dim3A_866 = vector.broadcast %jit3A_865 : i32 to vector<16xi32>
      %select_n3A_867 = arith.select %gt3A_864, %broadcast_in_dim3A_866, %select_n3A_851 : vector<16xi1>, vector<16xi32>
      %select_n3A_868 = arith.select %gt3A_863, %select_n3A_856, %select_n3A_867 : vector<16xi1>, vector<16xi32>
      %select_n3A_869 = arith.select %gt3A_864, %get3A_862, %select_n3A_853 : vector<16xi1>, vector<16xf32>
      %select_n3A_870 = arith.select %gt3A_863, %select_n3A_857, %select_n3A_869 : vector<16xi1>, vector<16xf32>
      %jit3A_871 = arith.constant 48 : i32
      %broadcast_in_dim3A_872 = vector.broadcast %jit3A_871 : i32 to vector<16xi32>
      %select_n3A_873 = arith.select %gt3A_863, %broadcast_in_dim3A_872, %select_n3A_856 : vector<16xi1>, vector<16xi32>
      %select_n3A_874 = arith.select %gt3A_863, %get3A_862, %select_n3A_857 : vector<16xi1>, vector<16xf32>
      %get3A_875 = arith.constant 49 : i32
      %get3A_876 = arith.index_cast %get3A_875 : i32 to index
      %get3A_877 = arith.index_cast %mul3A_50 : i32 to index
      %get3A_878 = tpu.vector_load %arg5[%get3A_876, %get3A_877] {strides = array<i32>} : memref<64x1024xf32, #tpu.memory_space<vmem>>, vector<1x16xf32>,
      %get3A_879 = vector.shape_cast %get3A_878 : vector<1x16xf32> to vector<16xf32>
      %gt3A_880 = arith.cmpf ogt, %get3A_879, %select_n3A_874 : vector<16xf32>
      %gt3A_881 = arith.cmpf ogt, %get3A_879, %select_n3A_870 : vector<16xf32>
      %jit3A_882 = arith.constant 49 : i32
      %broadcast_in_dim3A_883 = vector.broadcast %jit3A_882 : i32 to vector<16xi32>
      %select_n3A_884 = arith.select %gt3A_881, %broadcast_in_dim3A_883, %select_n3A_868 : vector<16xi1>, vector<16xi32>
      %select_n3A_885 = arith.select %gt3A_880, %select_n3A_873, %select_n3A_884 : vector<16xi1>, vector<16xi32>
      %select_n3A_886 = arith.select %gt3A_881, %get3A_879, %select_n3A_870 : vector<16xi1>, vector<16xf32>
      %select_n3A_887 = arith.select %gt3A_880, %select_n3A_874, %select_n3A_886 : vector<16xi1>, vector<16xf32>
      %jit3A_888 = arith.constant 49 : i32
      %broadcast_in_dim3A_889 = vector.broadcast %jit3A_888 : i32 to vector<16xi32>
      %select_n3A_890 = arith.select %gt3A_880, %broadcast_in_dim3A_889, %select_n3A_873 : vector<16xi1>, vector<16xi32>
      %select_n3A_891 = arith.select %gt3A_880, %get3A_879, %select_n3A_874 : vector<16xi1>, vector<16xf32>
      %get3A_892 = arith.constant 50 : i32
      %get3A_893 = arith.index_cast %get3A_892 : i32 to index
      %get3A_894 = arith.index_cast %mul3A_50 : i32 to index
      %get3A_895 = tpu.vector_load %arg5[%get3A_893, %get3A_894] {strides = array<i32>} : memref<64x1024xf32, #tpu.memory_space<vmem>>, vector<1x16xf32>,
      %get3A_896 = vector.shape_cast %get3A_895 : vector<1x16xf32> to vector<16xf32>
      %gt3A_897 = arith.cmpf ogt, %get3A_896, %select_n3A_891 : vector<16xf32>
      %gt3A_898 = arith.cmpf ogt, %get3A_896, %select_n3A_887 : vector<16xf32>
      %jit3A_899 = arith.constant 50 : i32
      %broadcast_in_dim3A_900 = vector.broadcast %jit3A_899 : i32 to vector<16xi32>
      %select_n3A_901 = arith.select %gt3A_898, %broadcast_in_dim3A_900, %select_n3A_885 : vector<16xi1>, vector<16xi32>
      %select_n3A_902 = arith.select %gt3A_897, %select_n3A_890, %select_n3A_901 : vector<16xi1>, vector<16xi32>
      %select_n3A_903 = arith.select %gt3A_898, %get3A_896, %select_n3A_887 : vector<16xi1>, vector<16xf32>
      %select_n3A_904 = arith.select %gt3A_897, %select_n3A_891, %select_n3A_903 : vector<16xi1>, vector<16xf32>
      %jit3A_905 = arith.constant 50 : i32
      %broadcast_in_dim3A_906 = vector.broadcast %jit3A_905 : i32 to vector<16xi32>
      %select_n3A_907 = arith.select %gt3A_897, %broadcast_in_dim3A_906, %select_n3A_890 : vector<16xi1>, vector<16xi32>
      %select_n3A_908 = arith.select %gt3A_897, %get3A_896, %select_n3A_891 : vector<16xi1>, vector<16xf32>
      %get3A_909 = arith.constant 51 : i32
      %get3A_910 = arith.index_cast %get3A_909 : i32 to index
      %get3A_911 = arith.index_cast %mul3A_50 : i32 to index
      %get3A_912 = tpu.vector_load %arg5[%get3A_910, %get3A_911] {strides = array<i32>} : memref<64x1024xf32, #tpu.memory_space<vmem>>, vector<1x16xf32>,
      %get3A_913 = vector.shape_cast %get3A_912 : vector<1x16xf32> to vector<16xf32>
      %gt3A_914 = arith.cmpf ogt, %get3A_913, %select_n3A_908 : vector<16xf32>
      %gt3A_915 = arith.cmpf ogt, %get3A_913, %select_n3A_904 : vector<16xf32>
      %jit3A_916 = arith.constant 51 : i32
      %broadcast_in_dim3A_917 = vector.broadcast %jit3A_916 : i32 to vector<16xi32>
      %select_n3A_918 = arith.select %gt3A_915, %broadcast_in_dim3A_917, %select_n3A_902 : vector<16xi1>, vector<16xi32>
      %select_n3A_919 = arith.select %gt3A_914, %select_n3A_907, %select_n3A_918 : vector<16xi1>, vector<16xi32>
      %select_n3A_920 = arith.select %gt3A_915, %get3A_913, %select_n3A_904 : vector<16xi1>, vector<16xf32>
      %select_n3A_921 = arith.select %gt3A_914, %select_n3A_908, %select_n3A_920 : vector<16xi1>, vector<16xf32>
      %jit3A_922 = arith.constant 51 : i32
      %broadcast_in_dim3A_923 = vector.broadcast %jit3A_922 : i32 to vector<16xi32>
      %select_n3A_924 = arith.select %gt3A_914, %broadcast_in_dim3A_923, %select_n3A_907 : vector<16xi1>, vector<16xi32>
      %select_n3A_925 = arith.select %gt3A_914, %get3A_913, %select_n3A_908 : vector<16xi1>, vector<16xf32>
      %get3A_926 = arith.constant 52 : i32
      %get3A_927 = arith.index_cast %get3A_926 : i32 to index
      %get3A_928 = arith.index_cast %mul3A_50 : i32 to index
      %get3A_929 = tpu.vector_load %arg5[%get3A_927, %get3A_928] {strides = array<i32>} : memref<64x1024xf32, #tpu.memory_space<vmem>>, vector<1x16xf32>,
      %get3A_930 = vector.shape_cast %get3A_929 : vector<1x16xf32> to vector<16xf32>
      %gt3A_931 = arith.cmpf ogt, %get3A_930, %select_n3A_925 : vector<16xf32>
      %gt3A_932 = arith.cmpf ogt, %get3A_930, %select_n3A_921 : vector<16xf32>
      %jit3A_933 = arith.constant 52 : i32
      %broadcast_in_dim3A_934 = vector.broadcast %jit3A_933 : i32 to vector<16xi32>
      %select_n3A_935 = arith.select %gt3A_932, %broadcast_in_dim3A_934, %select_n3A_919 : vector<16xi1>, vector<16xi32>
      %select_n3A_936 = arith.select %gt3A_931, %select_n3A_924, %select_n3A_935 : vector<16xi1>, vector<16xi32>
      %select_n3A_937 = arith.select %gt3A_932, %get3A_930, %select_n3A_921 : vector<16xi1>, vector<16xf32>
      %select_n3A_938 = arith.select %gt3A_931, %select_n3A_925, %select_n3A_937 : vector<16xi1>, vector<16xf32>
      %jit3A_939 = arith.constant 52 : i32
      %broadcast_in_dim3A_940 = vector.broadcast %jit3A_939 : i32 to vector<16xi32>
      %select_n3A_941 = arith.select %gt3A_931, %broadcast_in_dim3A_940, %select_n3A_924 : vector<16xi1>, vector<16xi32>
      %select_n3A_942 = arith.select %gt3A_931, %get3A_930, %select_n3A_925 : vector<16xi1>, vector<16xf32>
      %get3A_943 = arith.constant 53 : i32
      %get3A_944 = arith.index_cast %get3A_943 : i32 to index
      %get3A_945 = arith.index_cast %mul3A_50 : i32 to index
      %get3A_946 = tpu.vector_load %arg5[%get3A_944, %get3A_945] {strides = array<i32>} : memref<64x1024xf32, #tpu.memory_space<vmem>>, vector<1x16xf32>,
      %get3A_947 = vector.shape_cast %get3A_946 : vector<1x16xf32> to vector<16xf32>
      %gt3A_948 = arith.cmpf ogt, %get3A_947, %select_n3A_942 : vector<16xf32>
      %gt3A_949 = arith.cmpf ogt, %get3A_947, %select_n3A_938 : vector<16xf32>
      %jit3A_950 = arith.constant 53 : i32
      %broadcast_in_dim3A_951 = vector.broadcast %jit3A_950 : i32 to vector<16xi32>
      %select_n3A_952 = arith.select %gt3A_949, %broadcast_in_dim3A_951, %select_n3A_936 : vector<16xi1>, vector<16xi32>
      %select_n3A_953 = arith.select %gt3A_948, %select_n3A_941, %select_n3A_952 : vector<16xi1>, vector<16xi32>
      %select_n3A_954 = arith.select %gt3A_949, %get3A_947, %select_n3A_938 : vector<16xi1>, vector<16xf32>
      %select_n3A_955 = arith.select %gt3A_948, %select_n3A_942, %select_n3A_954 : vector<16xi1>, vector<16xf32>
      %jit3A_956 = arith.constant 53 : i32
      %broadcast_in_dim3A_957 = vector.broadcast %jit3A_956 : i32 to vector<16xi32>
      %select_n3A_958 = arith.select %gt3A_948, %broadcast_in_dim3A_957, %select_n3A_941 : vector<16xi1>, vector<16xi32>
      %select_n3A_959 = arith.select %gt3A_948, %get3A_947, %select_n3A_942 : vector<16xi1>, vector<16xf32>
      %get3A_960 = arith.constant 54 : i32
      %get3A_961 = arith.index_cast %get3A_960 : i32 to index
      %get3A_962 = arith.index_cast %mul3A_50 : i32 to index
      %get3A_963 = tpu.vector_load %arg5[%get3A_961, %get3A_962] {strides = array<i32>} : memref<64x1024xf32, #tpu.memory_space<vmem>>, vector<1x16xf32>,
      %get3A_964 = vector.shape_cast %get3A_963 : vector<1x16xf32> to vector<16xf32>
      %gt3A_965 = arith.cmpf ogt, %get3A_964, %select_n3A_959 : vector<16xf32>
      %gt3A_966 = arith.cmpf ogt, %get3A_964, %select_n3A_955 : vector<16xf32>
      %jit3A_967 = arith.constant 54 : i32
      %broadcast_in_dim3A_968 = vector.broadcast %jit3A_967 : i32 to vector<16xi32>
      %select_n3A_969 = arith.select %gt3A_966, %broadcast_in_dim3A_968, %select_n3A_953 : vector<16xi1>, vector<16xi32>
      %select_n3A_970 = arith.select %gt3A_965, %select_n3A_958, %select_n3A_969 : vector<16xi1>, vector<16xi32>
      %select_n3A_971 = arith.select %gt3A_966, %get3A_964, %select_n3A_955 : vector<16xi1>, vector<16xf32>
      %select_n3A_972 = arith.select %gt3A_965, %select_n3A_959, %select_n3A_971 : vector<16xi1>, vector<16xf32>
      %jit3A_973 = arith.constant 54 : i32
      %broadcast_in_dim3A_974 = vector.broadcast %jit3A_973 : i32 to vector<16xi32>
      %select_n3A_975 = arith.select %gt3A_965, %broadcast_in_dim3A_974, %select_n3A_958 : vector<16xi1>, vector<16xi32>
      %select_n3A_976 = arith.select %gt3A_965, %get3A_964, %select_n3A_959 : vector<16xi1>, vector<16xf32>
      %get3A_977 = arith.constant 55 : i32
      %get3A_978 = arith.index_cast %get3A_977 : i32 to index
      %get3A_979 = arith.index_cast %mul3A_50 : i32 to index
      %get3A_980 = tpu.vector_load %arg5[%get3A_978, %get3A_979] {strides = array<i32>} : memref<64x1024xf32, #tpu.memory_space<vmem>>, vector<1x16xf32>,
      %get3A_981 = vector.shape_cast %get3A_980 : vector<1x16xf32> to vector<16xf32>
      %gt3A_982 = arith.cmpf ogt, %get3A_981, %select_n3A_976 : vector<16xf32>
      %gt3A_983 = arith.cmpf ogt, %get3A_981, %select_n3A_972 : vector<16xf32>
      %jit3A_984 = arith.constant 55 : i32
      %broadcast_in_dim3A_985 = vector.broadcast %jit3A_984 : i32 to vector<16xi32>
      %select_n3A_986 = arith.select %gt3A_983, %broadcast_in_dim3A_985, %select_n3A_970 : vector<16xi1>, vector<16xi32>
      %select_n3A_987 = arith.select %gt3A_982, %select_n3A_975, %select_n3A_986 : vector<16xi1>, vector<16xi32>
      %select_n3A_988 = arith.select %gt3A_983, %get3A_981, %select_n3A_972 : vector<16xi1>, vector<16xf32>
      %select_n3A_989 = arith.select %gt3A_982, %select_n3A_976, %select_n3A_988 : vector<16xi1>, vector<16xf32>
      %jit3A_990 = arith.constant 55 : i32
      %broadcast_in_dim3A_991 = vector.broadcast %jit3A_990 : i32 to vector<16xi32>
      %select_n3A_992 = arith.select %gt3A_982, %broadcast_in_dim3A_991, %select_n3A_975 : vector<16xi1>, vector<16xi32>
      %select_n3A_993 = arith.select %gt3A_982, %get3A_981, %select_n3A_976 : vector<16xi1>, vector<16xf32>
      %get3A_994 = arith.constant 56 : i32
      %get3A_995 = arith.index_cast %get3A_994 : i32 to index
      %get3A_996 = arith.index_cast %mul3A_50 : i32 to index
      %get3A_997 = tpu.vector_load %arg5[%get3A_995, %get3A_996] {strides = array<i32>} : memref<64x1024xf32, #tpu.memory_space<vmem>>, vector<1x16xf32>,
      %get3A_998 = vector.shape_cast %get3A_997 : vector<1x16xf32> to vector<16xf32>
      %gt3A_999 = arith.cmpf ogt, %get3A_998, %select_n3A_993 : vector<16xf32>
      %gt3A_1000 = arith.cmpf ogt, %get3A_998, %select_n3A_989 : vector<16xf32>
      %jit3A_1001 = arith.constant 56 : i32
      %broadcast_in_dim3A_1002 = vector.broadcast %jit3A_1001 : i32 to vector<16xi32>
      %select_n3A_1003 = arith.select %gt3A_1000, %broadcast_in_dim3A_1002, %select_n3A_987 : vector<16xi1>, vector<16xi32>
      %select_n3A_1004 = arith.select %gt3A_999, %select_n3A_992, %select_n3A_1003 : vector<16xi1>, vector<16xi32>
      %select_n3A_1005 = arith.select %gt3A_1000, %get3A_998, %select_n3A_989 : vector<16xi1>, vector<16xf32>
      %select_n3A_1006 = arith.select %gt3A_999, %select_n3A_993, %select_n3A_1005 : vector<16xi1>, vector<16xf32>
      %jit3A_1007 = arith.constant 56 : i32
      %broadcast_in_dim3A_1008 = vector.broadcast %jit3A_1007 : i32 to vector<16xi32>
      %select_n3A_1009 = arith.select %gt3A_999, %broadcast_in_dim3A_1008, %select_n3A_992 : vector<16xi1>, vector<16xi32>
      %select_n3A_1010 = arith.select %gt3A_999, %get3A_998, %select_n3A_993 : vector<16xi1>, vector<16xf32>
      %get3A_1011 = arith.constant 57 : i32
      %get3A_1012 = arith.index_cast %get3A_1011 : i32 to index
      %get3A_1013 = arith.index_cast %mul3A_50 : i32 to index
      %get3A_1014 = tpu.vector_load %arg5[%get3A_1012, %get3A_1013] {strides = array<i32>} : memref<64x1024xf32, #tpu.memory_space<vmem>>, vector<1x16xf32>,
      %get3A_1015 = vector.shape_cast %get3A_1014 : vector<1x16xf32> to vector<16xf32>
      %gt3A_1016 = arith.cmpf ogt, %get3A_1015, %select_n3A_1010 : vector<16xf32>
      %gt3A_1017 = arith.cmpf ogt, %get3A_1015, %select_n3A_1006 : vector<16xf32>
      %jit3A_1018 = arith.constant 57 : i32
      %broadcast_in_dim3A_1019 = vector.broadcast %jit3A_1018 : i32 to vector<16xi32>
      %select_n3A_1020 = arith.select %gt3A_1017, %broadcast_in_dim3A_1019, %select_n3A_1004 : vector<16xi1>, vector<16xi32>
      %select_n3A_1021 = arith.select %gt3A_1016, %select_n3A_1009, %select_n3A_1020 : vector<16xi1>, vector<16xi32>
      %select_n3A_1022 = arith.select %gt3A_1017, %get3A_1015, %select_n3A_1006 : vector<16xi1>, vector<16xf32>
      %select_n3A_1023 = arith.select %gt3A_1016, %select_n3A_1010, %select_n3A_1022 : vector<16xi1>, vector<16xf32>
      %jit3A_1024 = arith.constant 57 : i32
      %broadcast_in_dim3A_1025 = vector.broadcast %jit3A_1024 : i32 to vector<16xi32>
      %select_n3A_1026 = arith.select %gt3A_1016, %broadcast_in_dim3A_1025, %select_n3A_1009 : vector<16xi1>, vector<16xi32>
      %select_n3A_1027 = arith.select %gt3A_1016, %get3A_1015, %select_n3A_1010 : vector<16xi1>, vector<16xf32>
      %get3A_1028 = arith.constant 58 : i32
      %get3A_1029 = arith.index_cast %get3A_1028 : i32 to index
      %get3A_1030 = arith.index_cast %mul3A_50 : i32 to index
      %get3A_1031 = tpu.vector_load %arg5[%get3A_1029, %get3A_1030] {strides = array<i32>} : memref<64x1024xf32, #tpu.memory_space<vmem>>, vector<1x16xf32>,
      %get3A_1032 = vector.shape_cast %get3A_1031 : vector<1x16xf32> to vector<16xf32>
      %gt3A_1033 = arith.cmpf ogt, %get3A_1032, %select_n3A_1027 : vector<16xf32>
      %gt3A_1034 = arith.cmpf ogt, %get3A_1032, %select_n3A_1023 : vector<16xf32>
      %jit3A_1035 = arith.constant 58 : i32
      %broadcast_in_dim3A_1036 = vector.broadcast %jit3A_1035 : i32 to vector<16xi32>
      %select_n3A_1037 = arith.select %gt3A_1034, %broadcast_in_dim3A_1036, %select_n3A_1021 : vector<16xi1>, vector<16xi32>
      %select_n3A_1038 = arith.select %gt3A_1033, %select_n3A_1026, %select_n3A_1037 : vector<16xi1>, vector<16xi32>
      %select_n3A_1039 = arith.select %gt3A_1034, %get3A_1032, %select_n3A_1023 : vector<16xi1>, vector<16xf32>
      %select_n3A_1040 = arith.select %gt3A_1033, %select_n3A_1027, %select_n3A_1039 : vector<16xi1>, vector<16xf32>
      %jit3A_1041 = arith.constant 58 : i32
      %broadcast_in_dim3A_1042 = vector.broadcast %jit3A_1041 : i32 to vector<16xi32>
      %select_n3A_1043 = arith.select %gt3A_1033, %broadcast_in_dim3A_1042, %select_n3A_1026 : vector<16xi1>, vector<16xi32>
      %select_n3A_1044 = arith.select %gt3A_1033, %get3A_1032, %select_n3A_1027 : vector<16xi1>, vector<16xf32>
      %get3A_1045 = arith.constant 59 : i32
      %get3A_1046 = arith.index_cast %get3A_1045 : i32 to index
      %get3A_1047 = arith.index_cast %mul3A_50 : i32 to index
      %get3A_1048 = tpu.vector_load %arg5[%get3A_1046, %get3A_1047] {strides = array<i32>} : memref<64x1024xf32, #tpu.memory_space<vmem>>, vector<1x16xf32>,
      %get3A_1049 = vector.shape_cast %get3A_1048 : vector<1x16xf32> to vector<16xf32>
      %gt3A_1050 = arith.cmpf ogt, %get3A_1049, %select_n3A_1044 : vector<16xf32>
      %gt3A_1051 = arith.cmpf ogt, %get3A_1049, %select_n3A_1040 : vector<16xf32>
      %jit3A_1052 = arith.constant 59 : i32
      %broadcast_in_dim3A_1053 = vector.broadcast %jit3A_1052 : i32 to vector<16xi32>
      %select_n3A_1054 = arith.select %gt3A_1051, %broadcast_in_dim3A_1053, %select_n3A_1038 : vector<16xi1>, vector<16xi32>
      %select_n3A_1055 = arith.select %gt3A_1050, %select_n3A_1043, %select_n3A_1054 : vector<16xi1>, vector<16xi32>
      %select_n3A_1056 = arith.select %gt3A_1051, %get3A_1049, %select_n3A_1040 : vector<16xi1>, vector<16xf32>
      %select_n3A_1057 = arith.select %gt3A_1050, %select_n3A_1044, %select_n3A_1056 : vector<16xi1>, vector<16xf32>
      %jit3A_1058 = arith.constant 59 : i32
      %broadcast_in_dim3A_1059 = vector.broadcast %jit3A_1058 : i32 to vector<16xi32>
      %select_n3A_1060 = arith.select %gt3A_1050, %broadcast_in_dim3A_1059, %select_n3A_1043 : vector<16xi1>, vector<16xi32>
      %select_n3A_1061 = arith.select %gt3A_1050, %get3A_1049, %select_n3A_1044 : vector<16xi1>, vector<16xf32>
      %get3A_1062 = arith.constant 60 : i32
      %get3A_1063 = arith.index_cast %get3A_1062 : i32 to index
      %get3A_1064 = arith.index_cast %mul3A_50 : i32 to index
      %get3A_1065 = tpu.vector_load %arg5[%get3A_1063, %get3A_1064] {strides = array<i32>} : memref<64x1024xf32, #tpu.memory_space<vmem>>, vector<1x16xf32>,
      %get3A_1066 = vector.shape_cast %get3A_1065 : vector<1x16xf32> to vector<16xf32>
      %gt3A_1067 = arith.cmpf ogt, %get3A_1066, %select_n3A_1061 : vector<16xf32>
      %gt3A_1068 = arith.cmpf ogt, %get3A_1066, %select_n3A_1057 : vector<16xf32>
      %jit3A_1069 = arith.constant 60 : i32
      %broadcast_in_dim3A_1070 = vector.broadcast %jit3A_1069 : i32 to vector<16xi32>
      %select_n3A_1071 = arith.select %gt3A_1068, %broadcast_in_dim3A_1070, %select_n3A_1055 : vector<16xi1>, vector<16xi32>
      %select_n3A_1072 = arith.select %gt3A_1067, %select_n3A_1060, %select_n3A_1071 : vector<16xi1>, vector<16xi32>
      %select_n3A_1073 = arith.select %gt3A_1068, %get3A_1066, %select_n3A_1057 : vector<16xi1>, vector<16xf32>
      %select_n3A_1074 = arith.select %gt3A_1067, %select_n3A_1061, %select_n3A_1073 : vector<16xi1>, vector<16xf32>
      %jit3A_1075 = arith.constant 60 : i32
      %broadcast_in_dim3A_1076 = vector.broadcast %jit3A_1075 : i32 to vector<16xi32>
      %select_n3A_1077 = arith.select %gt3A_1067, %broadcast_in_dim3A_1076, %select_n3A_1060 : vector<16xi1>, vector<16xi32>
      %select_n3A_1078 = arith.select %gt3A_1067, %get3A_1066, %select_n3A_1061 : vector<16xi1>, vector<16xf32>
      %get3A_1079 = arith.constant 61 : i32
      %get3A_1080 = arith.index_cast %get3A_1079 : i32 to index
      %get3A_1081 = arith.index_cast %mul3A_50 : i32 to index
      %get3A_1082 = tpu.vector_load %arg5[%get3A_1080, %get3A_1081] {strides = array<i32>} : memref<64x1024xf32, #tpu.memory_space<vmem>>, vector<1x16xf32>,
      %get3A_1083 = vector.shape_cast %get3A_1082 : vector<1x16xf32> to vector<16xf32>
      %gt3A_1084 = arith.cmpf ogt, %get3A_1083, %select_n3A_1078 : vector<16xf32>
      %gt3A_1085 = arith.cmpf ogt, %get3A_1083, %select_n3A_1074 : vector<16xf32>
      %jit3A_1086 = arith.constant 61 : i32
      %broadcast_in_dim3A_1087 = vector.broadcast %jit3A_1086 : i32 to vector<16xi32>
      %select_n3A_1088 = arith.select %gt3A_1085, %broadcast_in_dim3A_1087, %select_n3A_1072 : vector<16xi1>, vector<16xi32>
      %select_n3A_1089 = arith.select %gt3A_1084, %select_n3A_1077, %select_n3A_1088 : vector<16xi1>, vector<16xi32>
      %select_n3A_1090 = arith.select %gt3A_1085, %get3A_1083, %select_n3A_1074 : vector<16xi1>, vector<16xf32>
      %select_n3A_1091 = arith.select %gt3A_1084, %select_n3A_1078, %select_n3A_1090 : vector<16xi1>, vector<16xf32>
      %jit3A_1092 = arith.constant 61 : i32
      %broadcast_in_dim3A_1093 = vector.broadcast %jit3A_1092 : i32 to vector<16xi32>
      %select_n3A_1094 = arith.select %gt3A_1084, %broadcast_in_dim3A_1093, %select_n3A_1077 : vector<16xi1>, vector<16xi32>
      %select_n3A_1095 = arith.select %gt3A_1084, %get3A_1083, %select_n3A_1078 : vector<16xi1>, vector<16xf32>
      %get3A_1096 = arith.constant 62 : i32
      %get3A_1097 = arith.index_cast %get3A_1096 : i32 to index
      %get3A_1098 = arith.index_cast %mul3A_50 : i32 to index
      %get3A_1099 = tpu.vector_load %arg5[%get3A_1097, %get3A_1098] {strides = array<i32>} : memref<64x1024xf32, #tpu.memory_space<vmem>>, vector<1x16xf32>,
      %get3A_1100 = vector.shape_cast %get3A_1099 : vector<1x16xf32> to vector<16xf32>
      %gt3A_1101 = arith.cmpf ogt, %get3A_1100, %select_n3A_1095 : vector<16xf32>
      %gt3A_1102 = arith.cmpf ogt, %get3A_1100, %select_n3A_1091 : vector<16xf32>
      %jit3A_1103 = arith.constant 62 : i32
      %broadcast_in_dim3A_1104 = vector.broadcast %jit3A_1103 : i32 to vector<16xi32>
      %select_n3A_1105 = arith.select %gt3A_1102, %broadcast_in_dim3A_1104, %select_n3A_1089 : vector<16xi1>, vector<16xi32>
      %select_n3A_1106 = arith.select %gt3A_1101, %select_n3A_1094, %select_n3A_1105 : vector<16xi1>, vector<16xi32>
      %select_n3A_1107 = arith.select %gt3A_1102, %get3A_1100, %select_n3A_1091 : vector<16xi1>, vector<16xf32>
      %select_n3A_1108 = arith.select %gt3A_1101, %select_n3A_1095, %select_n3A_1107 : vector<16xi1>, vector<16xf32>
      %jit3A_1109 = arith.constant 62 : i32
      %broadcast_in_dim3A_1110 = vector.broadcast %jit3A_1109 : i32 to vector<16xi32>
      %select_n3A_1111 = arith.select %gt3A_1101, %broadcast_in_dim3A_1110, %select_n3A_1094 : vector<16xi1>, vector<16xi32>
      %select_n3A_1112 = arith.select %gt3A_1101, %get3A_1100, %select_n3A_1095 : vector<16xi1>, vector<16xf32>
      %get3A_1113 = arith.constant 63 : i32
      %get3A_1114 = arith.index_cast %get3A_1113 : i32 to index
      %get3A_1115 = arith.index_cast %mul3A_50 : i32 to index
      %get3A_1116 = tpu.vector_load %arg5[%get3A_1114, %get3A_1115] {strides = array<i32>} : memref<64x1024xf32, #tpu.memory_space<vmem>>, vector<1x16xf32>,
      %get3A_1117 = vector.shape_cast %get3A_1116 : vector<1x16xf32> to vector<16xf32>
      %gt3A_1118 = arith.cmpf ogt, %get3A_1117, %select_n3A_1112 : vector<16xf32>
      %gt3A_1119 = arith.cmpf ogt, %get3A_1117, %select_n3A_1108 : vector<16xf32>
      %jit3A_1120 = arith.constant 63 : i32
      %broadcast_in_dim3A_1121 = vector.broadcast %jit3A_1120 : i32 to vector<16xi32>
      %select_n3A_1122 = arith.select %gt3A_1119, %broadcast_in_dim3A_1121, %select_n3A_1106 : vector<16xi1>, vector<16xi32>
      %select_n3A_1123 = arith.select %gt3A_1118, %select_n3A_1111, %select_n3A_1122 : vector<16xi1>, vector<16xi32>
      %select_n3A_1124 = arith.select %gt3A_1119, %get3A_1117, %select_n3A_1108 : vector<16xi1>, vector<16xf32>
      %select_n3A_1125 = arith.select %gt3A_1118, %select_n3A_1112, %select_n3A_1124 : vector<16xi1>, vector<16xf32>
      %jit3A_1126 = arith.constant 63 : i32
      %broadcast_in_dim3A_1127 = vector.broadcast %jit3A_1126 : i32 to vector<16xi32>
      %select_n3A_1128 = arith.select %gt3A_1118, %broadcast_in_dim3A_1127, %select_n3A_1111 : vector<16xi1>, vector<16xi32>
      %select_n3A_1129 = arith.select %gt3A_1118, %get3A_1117, %select_n3A_1112 : vector<16xi1>, vector<16xf32>
      %jit3A_1130 = arith.constant 8 : i32
      %div3A_1131 = arith.divsi %scan3A_48, %jit3A_1130 : i32
      %sign3A_1132 = arith.constant 0 : i32
      %sign3A_1133 = arith.cmpi sgt, %scan3A_48, %sign3A_1132 : i32
      %sign3A_1134 = arith.extui %sign3A_1133 : i1 to i32
      %sign3A_1135 = arith.constant 0 : i32
      %sign3A_1136 = arith.cmpi slt, %scan3A_48, %sign3A_1135 : i32
      %sign3A_1137 = arith.extui %sign3A_1136 : i1 to i32
      %sign3A_1138 = arith.subi %sign3A_1134, %sign3A_1137 : i32
      %sign3A_1139 = arith.constant 0 : i32
      %sign3A_1140 = arith.cmpi sgt, %jit3A_1130, %sign3A_1139 : i32
      %sign3A_1141 = arith.extui %sign3A_1140 : i1 to i32
      %sign3A_1142 = arith.constant 0 : i32
      %sign3A_1143 = arith.cmpi slt, %jit3A_1130, %sign3A_1142 : i32
      %sign3A_1144 = arith.extui %sign3A_1143 : i1 to i32
      %sign3A_1145 = arith.subi %sign3A_1141, %sign3A_1144 : i32
      %ne3A_1146 = arith.cmpi ne, %sign3A_1138, %sign3A_1145 : i32
      %rem3A_1147 = arith.remsi %scan3A_48, %jit3A_1130 : i32
      %ne3A_1148 = arith.constant 0 : i32
      %ne3A_1149 = arith.cmpi ne, %rem3A_1147, %ne3A_1148 : i32
      %and3A_1150 = arith.andi %ne3A_1146, %ne3A_1149 : i1
      %sub3A_1151 = arith.constant 1 : i32
      %sub3A_1152 = arith.subi %div3A_1131, %sub3A_1151 : i32
      %select_n3A_1153 = arith.select %and3A_1150, %sub3A_1152, %div3A_1131 : i32
      %jit3A_1154 = arith.constant 8 : i32
      %eq3A = arith.constant 0 : i32
      %eq3A_1155 = arith.cmpi eq, %jit3A_1154, %eq3A : i32
      %jit3A_1156 = arith.constant 1 : i32
      %select_n3A_1157 = arith.select %eq3A_1155, %jit3A_1156, %jit3A_1154 : i32
      %rem3A_1158 = arith.remsi %scan3A_48, %select_n3A_1157 : i32
      %ne3A_1159 = arith.constant 0 : i32
      %ne3A_1160 = arith.cmpi ne, %rem3A_1158, %ne3A_1159 : i32
      %lt3A = arith.constant 0 : i32
      %lt3A_1161 = arith.cmpi slt, %rem3A_1158, %lt3A : i32
      %lt3A_1162 = arith.constant 0 : i32
      %lt3A_1163 = arith.cmpi slt, %select_n3A_1157, %lt3A_1162 : i32
      %ne3A_1164 = arith.xori %lt3A_1161, %lt3A_1163 : i1
      %and3A_1165 = arith.andi %ne3A_1164, %ne3A_1160 : i1
      %add3A_1166 = arith.addi %rem3A_1158, %select_n3A_1157 : i32
      %select_n3A_1167 = arith.select %and3A_1165, %add3A_1166, %rem3A_1158 : i32
      %mul3A_1168 = arith.constant 16 : i32
      %mul3A_1169 = arith.muli %select_n3A_1167, %mul3A_1168 : i32
      %swap3A = arith.constant 0 : i32
      %swap3A_1170 = arith.index_cast %select_n3A_1153 : i32 to index
      %swap3A_1171 = arith.index_cast %swap3A : i32 to index
      %swap3A_1172 = arith.index_cast %mul3A_1169 : i32 to index
      %swap3A_1173 = tpu.vector_load %arg6[%swap3A_1170, %swap3A_1171, %swap3A_1172] {strides = array<i32>} : memref<8x2x128xf32, #tpu.memory_space<vmem>>, vector<1x1x16xf32>,
      %swap3A_1174 = vector.shape_cast %swap3A_1173 : vector<1x1x16xf32> to vector<16xf32>
      %swap3A_1175 = vector.shape_cast %select_n3A_1129 : vector<16xf32> to vector<1x1x16xf32>
      tpu.vector_store %arg6[%swap3A_1170, %swap3A_1171, %swap3A_1172], %swap3A_1175 {strides = array<i32>} : memref<8x2x128xf32, #tpu.memory_space<vmem>>, vector<1x1x16xf32>,
      %swap3A_1176 = arith.constant 1 : i32
      %swap3A_1177 = arith.index_cast %select_n3A_1153 : i32 to index
      %swap3A_1178 = arith.index_cast %swap3A_1176 : i32 to index
      %swap3A_1179 = arith.index_cast %mul3A_1169 : i32 to index
      %swap3A_1180 = tpu.vector_load %arg6[%swap3A_1177, %swap3A_1178, %swap3A_1179] {strides = array<i32>} : memref<8x2x128xf32, #tpu.memory_space<vmem>>, vector<1x1x16xf32>,
      %swap3A_1181 = vector.shape_cast %swap3A_1180 : vector<1x1x16xf32> to vector<16xf32>
      %swap3A_1182 = vector.shape_cast %select_n3A_1125 : vector<16xf32> to vector<1x1x16xf32>
      tpu.vector_store %arg6[%swap3A_1177, %swap3A_1178, %swap3A_1179], %swap3A_1182 {strides = array<i32>} : memref<8x2x128xf32, #tpu.memory_space<vmem>>, vector<1x1x16xf32>,
      %swap3A_1183 = arith.constant 0 : i32
      %swap3A_1184 = arith.index_cast %select_n3A_1153 : i32 to index
      %swap3A_1185 = arith.index_cast %swap3A_1183 : i32 to index
      %swap3A_1186 = arith.index_cast %mul3A_1169 : i32 to index
      %swap3A_1187 = tpu.vector_load %arg7[%swap3A_1184, %swap3A_1185, %swap3A_1186] {strides = array<i32>} : memref<8x2x128xi32, #tpu.memory_space<vmem>>, vector<1x1x16xi32>,
      %swap3A_1188 = vector.shape_cast %swap3A_1187 : vector<1x1x16xi32> to vector<16xi32>
      %swap3A_1189 = vector.shape_cast %select_n3A_1128 : vector<16xi32> to vector<1x1x16xi32>
      tpu.vector_store %arg7[%swap3A_1184, %swap3A_1185, %swap3A_1186], %swap3A_1189 {strides = array<i32>} : memref<8x2x128xi32, #tpu.memory_space<vmem>>, vector<1x1x16xi32>,
      %swap3A_1190 = arith.constant 1 : i32
      %swap3A_1191 = arith.index_cast %select_n3A_1153 : i32 to index
      %swap3A_1192 = arith.index_cast %swap3A_1190 : i32 to index
      %swap3A_1193 = arith.index_cast %mul3A_1169 : i32 to index
      %swap3A_1194 = tpu.vector_load %arg7[%swap3A_1191, %swap3A_1192, %swap3A_1193] {strides = array<i32>} : memref<8x2x128xi32, #tpu.memory_space<vmem>>, vector<1x1x16xi32>,
      %swap3A_1195 = vector.shape_cast %swap3A_1194 : vector<1x1x16xi32> to vector<16xi32>
      %swap3A_1196 = vector.shape_cast %select_n3A_1123 : vector<16xi32> to vector<1x1x16xi32>
      tpu.vector_store %arg7[%swap3A_1191, %swap3A_1192, %swap3A_1193], %swap3A_1196 {strides = array<i32>} : memref<8x2x128xi32, #tpu.memory_space<vmem>>, vector<1x1x16xi32>,
    }
    %scan3A_7 = arith.constant 64 : i32
    %jit3A = arith.constant 128 : i32
    %div3A = arith.divsi %mul3A_2, %jit3A : i32
    %sign3A = arith.constant 0 : i32
    %sign3A_8 = arith.cmpi sgt, %mul3A_2, %sign3A : i32
    %sign3A_9 = arith.extui %sign3A_8 : i1 to i32
    %sign3A_10 = arith.constant 0 : i32
    %sign3A_11 = arith.cmpi slt, %mul3A_2, %sign3A_10 : i32
    %sign3A_12 = arith.extui %sign3A_11 : i1 to i32
    %sign3A_13 = arith.subi %sign3A_9, %sign3A_12 : i32
    %sign3A_14 = arith.constant 0 : i32
    %sign3A_15 = arith.cmpi sgt, %jit3A, %sign3A_14 : i32
    %sign3A_16 = arith.extui %sign3A_15 : i1 to i32
    %sign3A_17 = arith.constant 0 : i32
    %sign3A_18 = arith.cmpi slt, %jit3A, %sign3A_17 : i32
    %sign3A_19 = arith.extui %sign3A_18 : i1 to i32
    %sign3A_20 = arith.subi %sign3A_16, %sign3A_19 : i32
    %ne3A = arith.cmpi ne, %sign3A_13, %sign3A_20 : i32
    %rem3A = arith.remsi %mul3A_2, %jit3A : i32
    %ne3A_21 = arith.constant 0 : i32
    %ne3A_22 = arith.cmpi ne, %rem3A, %ne3A_21 : i32
    %and3A = arith.andi %ne3A, %ne3A_22 : i1
    %sub3A = arith.constant 1 : i32
    %sub3A_23 = arith.subi %div3A, %sub3A : i32
    %select_n3A = arith.select %and3A, %sub3A_23, %div3A : i32
    "tpu.region"() ({
      %run_scoped3A = tpu.sem_alloc : memref<!tpu.dma_semaphore, #tpu.memory_space<semaphore_mem>>
      %dma_start3A = arith.constant 0 : i32
      %dma_start3A_48 = arith.constant 0 : i32
      %dma_start3A_49 = tpu.memref_slice %arg3[%select_n3A, %dma_start3A, %dma_start3A_48] : memref<256x2x128xf32, #tpu.memory_space<hbm>> -> memref<8x2x128xf32, #tpu.memory_space<hbm>>
      %dma_start3A_50 = arith.constant 0 : i32
      %dma_start3A_51 = arith.constant 0 : i32
      %dma_start3A_52 = tpu.memref_slice %arg3[%select_n3A, %dma_start3A_50, %dma_start3A_51] : memref<256x2x128xf32, #tpu.memory_space<hbm>> -> memref<8x2x128xf32, #tpu.memory_space<hbm>>
      tpu.enqueue_dma source(%arg6 : memref<8x2x128xf32, #tpu.memory_space<vmem>>) target(%dma_start3A_52 : memref<8x2x128xf32, #tpu.memory_space<hbm>>) target_semaphore(%run_scoped3A : memref<!tpu.dma_semaphore, #tpu.memory_space<semaphore_mem>>)
      %dma_wait3A = arith.constant 0 : i32
      %dma_wait3A_53 = arith.constant 0 : i32
      %dma_wait3A_54 = tpu.memref_slice %arg3[%select_n3A, %dma_wait3A, %dma_wait3A_53] : memref<256x2x128xf32, #tpu.memory_space<hbm>> -> memref<8x2x128xf32, #tpu.memory_space<hbm>>
      %dma_wait3A_55 = arith.constant 0 : i32
      %dma_wait3A_56 = arith.constant 0 : i32
      %dma_wait3A_57 = tpu.memref_slice %arg3[%select_n3A, %dma_wait3A_55, %dma_wait3A_56] : memref<256x2x128xf32, #tpu.memory_space<hbm>> -> memref<8x2x128xf32, #tpu.memory_space<hbm>>
      tpu.wait_dma2 semaphore(%run_scoped3A : memref<!tpu.dma_semaphore, #tpu.memory_space<semaphore_mem>>) src(%arg6 : memref<8x2x128xf32, #tpu.memory_space<vmem>>) dst(%dma_wait3A_57 : memref<8x2x128xf32, #tpu.memory_space<hbm>>)
      tpu.yield
    }) : () -> ()
    %jit3A_24 = arith.constant 128 : i32
    %div3A_25 = arith.divsi %mul3A_2, %jit3A_24 : i32
    %sign3A_26 = arith.constant 0 : i32
    %sign3A_27 = arith.cmpi sgt, %mul3A_2, %sign3A_26 : i32
    %sign3A_28 = arith.extui %sign3A_27 : i1 to i32
    %sign3A_29 = arith.constant 0 : i32
    %sign3A_30 = arith.cmpi slt, %mul3A_2, %sign3A_29 : i32
    %sign3A_31 = arith.extui %sign3A_30 : i1 to i32
    %sign3A_32 = arith.subi %sign3A_28, %sign3A_31 : i32
    %sign3A_33 = arith.constant 0 : i32
    %sign3A_34 = arith.cmpi sgt, %jit3A_24, %sign3A_33 : i32
    %sign3A_35 = arith.extui %sign3A_34 : i1 to i32
    %sign3A_36 = arith.constant 0 : i32
    %sign3A_37 = arith.cmpi slt, %jit3A_24, %sign3A_36 : i32
    %sign3A_38 = arith.extui %sign3A_37 : i1 to i32
    %sign3A_39 = arith.subi %sign3A_35, %sign3A_38 : i32
    %ne3A_40 = arith.cmpi ne, %sign3A_32, %sign3A_39 : i32
    %rem3A_41 = arith.remsi %mul3A_2, %jit3A_24 : i32
    %ne3A_42 = arith.constant 0 : i32
    %ne3A_43 = arith.cmpi ne, %rem3A_41, %ne3A_42 : i32
    %and3A_44 = arith.andi %ne3A_40, %ne3A_43 : i1
    %sub3A_45 = arith.constant 1 : i32
    %sub3A_46 = arith.subi %div3A_25, %sub3A_45 : i32
    %select_n3A_47 = arith.select %and3A_44, %sub3A_46, %div3A_25 : i32
    "tpu.region"() ({
      %run_scoped3A = tpu.sem_alloc : memref<!tpu.dma_semaphore, #tpu.memory_space<semaphore_mem>>
      %dma_start3A = arith.constant 0 : i32
      %dma_start3A_48 = arith.constant 0 : i32
      %dma_start3A_49 = tpu.memref_slice %arg4[%select_n3A_47, %dma_start3A, %dma_start3A_48] : memref<256x2x128xi32, #tpu.memory_space<hbm>> -> memref<8x2x128xi32, #tpu.memory_space<hbm>>
      %dma_start3A_50 = arith.constant 0 : i32
      %dma_start3A_51 = arith.constant 0 : i32
      %dma_start3A_52 = tpu.memref_slice %arg4[%select_n3A_47, %dma_start3A_50, %dma_start3A_51] : memref<256x2x128xi32, #tpu.memory_space<hbm>> -> memref<8x2x128xi32, #tpu.memory_space<hbm>>
      tpu.enqueue_dma source(%arg7 : memref<8x2x128xi32, #tpu.memory_space<vmem>>) target(%dma_start3A_52 : memref<8x2x128xi32, #tpu.memory_space<hbm>>) target_semaphore(%run_scoped3A : memref<!tpu.dma_semaphore, #tpu.memory_space<semaphore_mem>>)
      %dma_wait3A = arith.constant 0 : i32
      %dma_wait3A_53 = arith.constant 0 : i32
      %dma_wait3A_54 = tpu.memref_slice %arg4[%select_n3A_47, %dma_wait3A, %dma_wait3A_53] : memref<256x2x128xi32, #tpu.memory_space<hbm>> -> memref<8x2x128xi32, #tpu.memory_space<hbm>>
      %dma_wait3A_55 = arith.constant 0 : i32
      %dma_wait3A_56 = arith.constant 0 : i32
      %dma_wait3A_57 = tpu.memref_slice %arg4[%select_n3A_47, %dma_wait3A_55, %dma_wait3A_56] : memref<256x2x128xi32, #tpu.memory_space<hbm>> -> memref<8x2x128xi32, #tpu.memory_space<hbm>>
      tpu.wait_dma2 semaphore(%run_scoped3A : memref<!tpu.dma_semaphore, #tpu.memory_space<semaphore_mem>>) src(%arg7 : memref<8x2x128xi32, #tpu.memory_space<vmem>>) dst(%dma_wait3A_57 : memref<8x2x128xi32, #tpu.memory_space<hbm>>)
      tpu.yield
    }) : () -> ()
    return
  }
}

module attributes {stable_mosaic.version = 14 : i64} {
  func.func @_tc_body(%arg0: i32, %arg1: memref<4096x768xf32, #tpu.memory_space<vmem>>, %arg2: memref<64x768xf32, #tpu.memory_space<vmem>>, %arg3: memref<64x1xf32, #tpu.memory_space<vmem>>, %arg4: memref<64x4096xf32, #tpu.memory_space<vmem>>) attributes {dimension_semantics = [#tpu.dimension_semantics<parallel>], iteration_bounds = array<i64: 8>, scalar_prefetch = 0 : i64, scratch_operands = 0 : i64, tpu.core_type = #tpu.core_type<tc>, window_params = [{transform_indices = @transform_0, window_bounds = array<i64: 4096, 768>}, {pipeline_mode = #tpu.pipeline_mode<synchronous>, transform_indices = @transform_1, window_bounds = array<i64: 64, 768>}, {pipeline_mode = #tpu.pipeline_mode<synchronous>, transform_indices = @transform_2, window_bounds = array<i64: 64, 1>}, {transform_indices = @transform_3, window_bounds = array<i64: 64, 4096>}]} {
    %get3A = arith.constant 0 : index
    %get3A_0 = arith.constant 0 : index
    %get3A_1 = vector.load %arg1[%get3A, %get3A_0] : memref<4096x768xf32, #tpu.memory_space<vmem>>, vector<4096x768xf32>
    %get3A_2 = arith.constant 0 : index
    %get3A_3 = arith.constant 0 : index
    %get3A_4 = vector.load %arg2[%get3A_2, %get3A_3] : memref<64x768xf32, #tpu.memory_space<vmem>>, vector<64x768xf32>
    %dot_general3A = arith.constant dense<0.000000e+00> : vector<64x4096xf32>
    %dot_general3A_5 = tpu.matmul %get3A_4, %get3A_1, %dot_general3A {dimension_numbers = #tpu.dot_dimension_numbers<[1], [1], [0], [0], [0, 0, 1, 0], [], []>, transpose_lhs_hint = false} : vector<64x768xf32>, vector<4096x768xf32>, vector<64x4096xf32> -> vector<64x4096xf32>
    %get3A_6 = arith.constant 0 : index
    %get3A_7 = arith.constant 0 : index
    %get3A_8 = vector.load %arg3[%get3A_6, %get3A_7] : memref<64x1xf32, #tpu.memory_space<vmem>>, vector<64x1xf32>
    %add3A = vector.broadcast %get3A_8 : vector<64x1xf32> to vector<64x4096xf32>
    %add3A_9 = arith.addf %dot_general3A_5, %add3A : vector<64x4096xf32>
    %reduce_max3A = arith.constant dense<0xFF800000> : vector<4096xf32>
    %reduce_max3A_10 = vector.multi_reduction <maximumf>, %add3A_9, %reduce_max3A [0] : vector<64x4096xf32> to vector<4096xf32>
    %broadcast_in_dim3A = vector.shape_cast %reduce_max3A_10 : vector<4096xf32> to vector<1x4096xf32>
    %sub3A = vector.broadcast %broadcast_in_dim3A : vector<1x4096xf32> to vector<64x4096xf32>
    %sub3A_11 = arith.subf %add3A_9, %sub3A : vector<64x4096xf32>
    %exp3A = math.exp %sub3A_11 : vector<64x4096xf32>
    %reduce_sum3A = arith.constant dense<0.000000e+00> : vector<4096xf32>
    %reduce_sum3A_12 = vector.multi_reduction <add>, %exp3A, %reduce_sum3A [0] : vector<64x4096xf32> to vector<4096xf32>
    %broadcast_in_dim3A_13 = vector.shape_cast %reduce_sum3A_12 : vector<4096xf32> to vector<1x4096xf32>
    %div3A = arith.constant 1.000000e+00 : f32
    %div3A_14 = vector.broadcast %div3A : f32 to vector<1x4096xf32>
    %div3A_15 = arith.divf %div3A_14, %broadcast_in_dim3A_13 : vector<1x4096xf32>
    %mul3A = vector.broadcast %div3A_15 : vector<1x4096xf32> to vector<64x4096xf32>
    %mul3A_16 = arith.mulf %exp3A, %mul3A : vector<64x4096xf32>
    %swap3A = arith.constant 0 : index
    %swap3A_17 = arith.constant 0 : index
    %swap3A_18 = vector.load %arg4[%swap3A, %swap3A_17] : memref<64x4096xf32, #tpu.memory_space<vmem>>, vector<64x4096xf32>
    tpu.vector_store %arg4[%swap3A, %swap3A_17], %mul3A_16 {strides = array<i32>} : memref<64x4096xf32, #tpu.memory_space<vmem>>, vector<64x4096xf32>,
    return
  }
  func.func @transform_0(%arg0: i32) -> (i32, i32) {
    %c0_i32 = arith.constant 0 : i32
    %c0_i32_0 = arith.constant 0 : i32
    return %arg0, %c0_i32 : i32, i32
  }
  func.func @transform_1(%arg0: i32) -> (i32, i32) {
    %c0_i32 = arith.constant 0 : i32
    %c0_i32_0 = arith.constant 0 : i32
    %c0_i32_1 = arith.constant 0 : i32
    return %c0_i32, %c0_i32_0 : i32, i32
  }
  func.func @transform_2(%arg0: i32) -> (i32, i32) {
    %c0_i32 = arith.constant 0 : i32
    %c0_i32_0 = arith.constant 0 : i32
    %c0_i32_1 = arith.constant 0 : i32
    return %c0_i32, %c0_i32_0 : i32, i32
  }
  func.func @transform_3(%arg0: i32) -> (i32, i32) {
    %c0_i32 = arith.constant 0 : i32
    %c0_i32_0 = arith.constant 0 : i32
    return %c0_i32, %arg0 : i32, i32
  }
}

</mosaic_0001>

<sc_bundles>
// kernel: kernel.4.cloned.1.call-start
scs
__scs_entry_jumppad:
0x0: {  	(pc) =	sbr.rel $0x88, $3  }
0x1: {  	(tag) =	ssettag $0x0;
	lr =	simm.s32 $0x1  }
0x2: {  	[smem:$0x3F9E] =	sst lr;
	_ =	strace $0xD0000000  }
0x3: {  	_ = 	snop  }
0x4: {  	_ = 	snop  }
0x5: {  	_ = 	snop  }
0x6: {  	_ = 	snop  }
0x7: {  	_ = 	snop  }
__scs_overlays_trampoline_lowered:
0x8: {  	[smem:$0x3FAD] =	sst s0  }
0x9: {  	[smem:$0x3FAE] =	sst s1  }
0xa: {  	[smem:$0x3FAF] =	sst s2  }
0xb: {  	[smem:$0x3FB0] =	sst s3  }
0xc: {  	[smem:$0x3FB1] =	sst s4  }
0xd: {  	[smem:$0x3FB2] =	sst s5  }
0xe: {  	[smem:$0x3FB3] =	sst s6  }
0xf: {  	[smem:$0x3FB4] =	sst s7  }
0x10: {  	[smem:$0x3FB5] =	sst s8  }
0x11: {  	[smem:$0x3FB6] =	sst s9;
	s0 =	simm.s32 @!p0 $0x0  }
0x12: {  	s1 =	sld [smem:$0x3F9C];
	s0 =	simm.s32 @p0 $0x1  }
0x13: {  	[smem:$0x3FB7] =	sst s0;
	s0 =	simm.s32 @!p1 $0x0  }
0x14: {  	s2 =	sld [smem:$0x3F9B];
	s0 =	simm.s32 @p1 $0x1  }
0x15: {  	[smem:$0x3FB8] =	sst s0;
	s0 =	simm.s32 @!p2 $0x0  }
0x16: {  	s3 =	sld [smem:$0x3FDB];
	s0 =	simm.s32 @p2 $0x1  }
0x17: {  	s4 =	simm.s32 $0x1BF5;
	[smem:$0x3FBA] =	sst s0  }
0x18: {  	s0 =	sld [smem:$0x3F9D];
	_ =	swait.ge [sflag:s4], $0x0  }
0x19: {  	s7 =	sld [smem:$0x3F9E]  }
0x1a: {  	s8 =	sadd.s32 $0xFFFFE003, lr  }
0x1b: {  	s9 =	sadd.s32 $0xFFFFFEF7, lr;
	s5 =	simm.s32 $0xFFFFFFFF;
	p2 =	slt.u32 s8, $0xFFFFF086  }
0x1c: {  	p1 =	slt.u32 s9, $0xF7A;
	s5 =	simm.s32 @!p2 $0x0  }
0x1d: {  	s5 =	simm.s32 @p1 $0x1;
	p0 =	seq.s32 s7, s2  }
0x1e: {  	s7 =	smul.u32 @!p0 $0xF7A, s2;
	p2 =	seq.s32 @!p0 s5, $0x0  }
0x1f: {  	s9 =	smul.u32 $0xF7A, s1;
	s8 =	simm.s32 @!p0 $0x1BF5;
	p2 =	por !p2, p0  }
0x20: {  	[sflag:s8] =	ssyncset.s32 @!p0 $0xFFFFF086;
	s6 =	sadd.s32 @!p0 s3, s7;
	s7 =	simm.s32 @!p0 $0x108  }
0x21: {  	s3 =	sadd.s32 s3, s9;
	s6 =	sadd.s32 @!p0 $0x88, s6;
	s7 =	simm.s32 @p2 $0x1082  }
0x22: {  	[simem:s7], [sflag:s8] =	dma.local @!p0 [hbm:s6], $0xF7A  }
0x23: {  	s9 =	sor.u32 $0xD0000000, s2;
	s6 =	simm.s32 $0x108;
	_ =	swait.ge @!p0 [sflag:s8], $0x0  }
0x24: {  	s3 =	sadd.s32 $0x88, s3;
	s6 =	simm.s32 @!p1 $0x1082;
	[sflag:s4] =	ssyncset.s32 $0xFFFFF086  }
0x25: {  	[simem:s6], [sflag:s4] =	dma.local [hbm:s3], $0xF7A  }
0x26: {  	[smem:$0x3F9E] =	sst s1;
	(tag) =	ssettag s2;
	_ =	strace s9  }
0x27: {  	s1 =	sld [smem:$0x3FAE]  }
0x28: {  	s2 =	sld [smem:$0x3FAF]  }
0x29: {  	s4 =	sld [smem:$0x3FB1]  }
0x2a: {  	p0 =	seq.s32 s5, $0x0;
	s5 =	sld [smem:$0x3FB2]  }
0x2b: {  	s6 =	sld [smem:$0x3FB3]  }
0x2c: {  	s7 =	sld [smem:$0x3FB4]  }
0x2d: {  	s3 =	simm.s32 $0x108;
	s8 =	sld [smem:$0x3FB5]  }
0x2e: {  	s3 =	simm.s32 @!p0 $0x1082;
	s9 =	sld [smem:$0x3FB6]  }
0x2f: {  	lr =	sadd.s32 s0, s3;
	s0 =	sld [smem:$0x3FAD]  }
0x30: {  	s3 =	sld [smem:$0x3FB0]  }
0x31: {  	[smem:$0x3FB9] =	sst s10  }
0x32: {  	s10 =	sld [smem:$0x3FB7];
	_ =	sdelay $0x3  }
0x33: {  	p0 =	seq.s32 s10, $0x1;
	s10 =	sld [smem:$0x3FB9];
	_ =	sdelay $0x3  }
0x34: {  	[smem:$0x3FB9] =	sst s10  }
0x35: {  	s10 =	sld [smem:$0x3FB8];
	_ =	sdelay $0x3  }
0x36: {  	p1 =	seq.s32 s10, $0x1;
	s10 =	sld [smem:$0x3FB9];
	_ =	sdelay $0x3  }
0x37: {  	[smem:$0x3FB9] =	sst s10  }
0x38: {  	s10 =	sld [smem:$0x3FBA]  }
0x39: {  	_ = 	snop;
	(pc) =	sbr.ind lr, $3  }
0x3a: {  	_ = 	snop  }
0x3b: {  	_ = 	snop  }
0x3c: {  	p2 =	seq.s32 s10, $0x1;
	s10 =	sld [smem:$0x3FB9]  }
0x3d: {  	_ =	shalt  }
0x3e: {  	_ =	shalt  }
0x3f: {  	_ =	shalt  }
0x40: {  	_ =	shalt  }
0x41: {  	_ =	shalt  }
0x42: {  	_ =	shalt  }
0x43: {  	_ =	shalt  }
0x44: {  	_ =	shalt  }
0x45: {  	_ =	shalt  }
0x46: {  	_ =	shalt  }
0x47: {  	_ =	shalt  }
0x48: {  	_ =	shalt  }
0x49: {  	_ =	shalt  }
0x4a: {  	_ =	shalt  }
0x4b: {  	_ =	shalt  }
0x4c: {  	_ =	shalt  }
0x4d: {  	_ =	shalt  }
0x4e: {  	_ =	shalt  }
0x4f: {  	_ =	shalt  }
0x50: {  	_ =	shalt  }
0x51: {  	_ =	shalt  }
0x52: {  	_ =	shalt  }
0x53: {  	_ =	shalt  }
0x54: {  	_ =	shalt  }
0x55: {  	_ =	shalt  }
0x56: {  	_ =	shalt  }
0x57: {  	_ =	shalt  }
0x58: {  	_ =	shalt  }
0x59: {  	_ =	shalt  }
0x5a: {  	_ =	shalt  }
0x5b: {  	_ =	shalt  }
0x5c: {  	_ =	shalt  }
0x5d: {  	_ =	shalt  }
0x5e: {  	_ =	shalt  }
0x5f: {  	_ =	shalt  }
0x60: {  	_ =	shalt  }
0x61: {  	_ =	shalt  }
0x62: {  	_ =	shalt  }
0x63: {  	_ =	shalt  }
0x64: {  	_ =	shalt  }
0x65: {  	_ =	shalt  }
0x66: {  	_ =	shalt  }
0x67: {  	_ =	shalt  }
0x68: {  	_ =	shalt  }
0x69: {  	_ =	shalt  }
0x6a: {  	_ =	shalt  }
0x6b: {  	_ =	shalt  }
0x6c: {  	_ =	shalt  }
0x6d: {  	_ =	shalt  }
0x6e: {  	_ =	shalt  }
0x6f: {  	_ =	shalt  }
0x70: {  	_ =	shalt  }
0x71: {  	_ =	shalt  }
0x72: {  	_ =	shalt  }
0x73: {  	_ =	shalt  }
0x74: {  	_ =	shalt  }
0x75: {  	_ =	shalt  }
0x76: {  	_ =	shalt  }
0x77: {  	_ =	shalt  }
0x78: {  	_ =	shalt  }
0x79: {  	_ =	shalt  }
0x7a: {  	_ =	shalt  }
0x7b: {  	_ =	shalt  }
0x7c: {  	_ =	shalt  }
0x7d: {  	_ =	shalt  }
0x7e: {  	_ =	shalt  }
0x7f: {  	_ =	shalt  }
0x80: {  	_ =	shalt  }
0x81: {  	_ =	shalt  }
0x82: {  	_ =	shalt  }
0x83: {  	_ =	shalt  }
0x84: {  	_ =	shalt  }
0x85: {  	_ =	shalt  }
0x86: {  	_ =	shalt  }
0x87: {  	_ =	shalt  }
.Lfunc_end0:
.L_simem_size_0:
called_computation_lowered:
.L_overlay_start_0:
0x88: {  	s2 =	sld [smem:$0x3FD9]  }
0x89: {  	s3 =	sld [smem:$0x3FFE];
	_ =	sdelay $0x1  }
0x8a: {  	s1 =	srdreg.scid  }
0x8b: {  	s0 =	sand.u32 $0x1, s1  }
0x8c: {  	s15 =	sshll.u32 s0, $0xA;
	s2 =	sadd.s32 s3, s2  }
0x8d: {  	s2 =	sadd.s32 s2, s15  }
0x8e: {  	[smem:$0x3FC5] =	sst s2  }
0x8f: {  	_ = 	snop  }
0x90: {  	s2 =	sld [smem:$0x3FD0];
	_ =	sdelay $0x2  }
0x91: {  	s16 =	simm.s32 $0xA;
	s4 =	simm.s32 $0x10  }
0x92: {  	[smem:s4], [sflag:s16] =	dma.local [hbm:s2], $0x1  }
0x93: {  	_ =	swait.eq [sflag:s16], $0x1  }
0x94: {  	s17 =	sld [smem:$0x10];
	[sflag:s16] =	ssyncset.done $0x0  }
0x95: {  	s18 =	sld [smem:$0x11];
	[sflag:s16] =	ssyncadd.s32 $0xFFFFFFFF  }
0x96: {  	s19 =	sld [smem:$0x12];
	(tm) =	ssettm $0x1  }
0x97: {  	s5 =	sld [smem:$0x3FFB];
	_ =	sdelay $0x3  }
0x98: {  	_ =	strace s5  }
0x99: {  	s5 =	sld [smem:$0x3FFC];
	_ =	sdelay $0x3  }
0x9a: {  	_ =	strace s5  }
0x9b: {  	s5 =	sld [smem:$0x3FFD];
	_ =	sdelay $0x3  }
0x9c: {  	_ =	strace s5  }
0x9d: {  	_ =	strace $0x8FFFFFFF  }
0x9e: {  	s20 =	sld [smem:$0x3FDB];
	_ =	sdelay $0x1  }
0x9f: {  	s6 =	simm.s32 $_scs_section_size  }
0xa0: {  	s7 =	simm.s32 $_size__tile_overlayer_lowered;
	s8 =	simm.s32 $_tile_overlayer_lowered  }
0xa1: {  	s23 =	simm.s32 $0x1BFF;
	s22 =	sshll.u32 s8, $0x1;
	s5 =	sadd.s32 s6, s20  }
0xa2: {  	s9 =	simm.s32 $0x0;
	s21 =	sshll.u32 s7, $0x1;
	s7 =	sadd.s32 s22, s5  }
0xa3: {  	[timem:s9], [sflag:s23] =	dma.local [hbm:s7], s21  }
0xa4: {  	_ =	swait.ge [sflag:s23], s21  }
0xa5: {  	s6 =	ssub.s32 $0x0, s21;
	[sflag:s23] =	ssyncset.done $0x0  }
0xa6: {  	[sflag:s23] =	ssyncadd.s32 s6;
	_ =	sdelay $0x1  }
0xa7: {  	s24 =	simm.s32 $0x1B8B  }
0xa8: {  	_ =	swait.ge [sflag:s24], $0x1  }
0xa9: {  	[sflag:s24] =	ssyncset.done $0x0  }
0xaa: {  	s25 =	simm.s32 $0x1B8E;
	[sflag:s24] =	ssyncadd.s32 $0xFFFFFFFF  }
0xab: {  	s26 =	simm.s32 $execute0_lowered;
	[smem:$0x3FD2] =	sst s25  }
0xac: {  	s6 =	sshll.u32 s26, $0x1;
	_ =	strace $0x80000046;
	[dreg:$0x1] =	wrdreg $0xFFFFFFFF  }
0xad: {  	s28 =	simm.s32 $_size_execute0_lowered;
	s5 =	sadd.s32 s5, s6;
	[dreg:$0x0] =	wrdreg $0x0  }
0xae: {  	s6 =	sshll.u32 s28, $0x1;
	[dreg:$0x2] =	wrdreg s5  }
0xaf: {  	[dreg:$0x3] =	wrdreg s6  }
0xb0: {  	[dreg:$0x4] =	wrdreg $0xC0  }
0xb1: {  	_ =	task [dreg:s9], $0x5FFFF  }
0xb2: {  	[dreg:$0x1] =	wrdreg $0xFFFFFFFF  }
0xb3: {  	[dreg:$0x0] =	wrdreg $0x60  }
0xb4: {  	[dreg:$0x2] =	wrdreg s19  }
0xb5: {  	[dreg:$0x3] =	wrdreg s18  }
0xb6: {  	[dreg:$0x4] =	wrdreg s17  }
0xb7: {  	[dreg:$0x5] =	wrdreg $0x9  }
0xb8: {  	_ =	task.clear_ibuf [dreg:s9], $0x6FFFF;
	_ =	strace $0x90000046  }
0xb9: {  	s29 =	simm.s32 $0x9;
	_ =	strace $0x80000048  }
0xba: {  	_ =	swait.ge [sflag:s29], $0x1  }
0xbb: {  	[sflag:s29] =	ssyncadd.s32 $0xFFFFFFFF  }
0xbc: {  	_ =	strace $0x90000048  }
0xbd: {  	_ =	sfence  }
0xbe: {  	s30 =	sld [smem:$0x0];
	_ =	sdelay $0x2  }
0xbf: {  	s31 =	sshll.u32 s1, $0xD;
	s1 =	sshrl.u32 s1, $0x2  }
0xc0: {  	s3 =	sand.u32 $0x4000, s31;
	s1 =	sadd.s32 s1, s30  }
0xc1: {  	s0 =	sor.u32 s3, s0;
	s1 =	sshll.u32 s1, $0x11  }
0xc2: {  	s0 =	sor.u32 s1, s0  }
0xc3: {  	s0 =	sadd.s32 $0x8F2B, s0  }
0xc4: {  	[sflag:s0] =	ssyncadd.remote.s32 $0x1  }
0xc5: {  	_ =	sfence.sel $0xFFFF  }
0xc6: {  	[dreg:$0x0] =	wrdreg $0xFFFFFFFF;
	(pc) =	sbr.abs _section_cstart, $3  }
0xc7: {  	[dreg:$0x1] =	wrdreg $0xFFFFFFFF  }
0xc8: {  	_ =	task.clear_ibuf [dreg:s9], $0x2FFFF;
	_ =	strace $0x9FFFFFFF  }
0xc9: {  	(tm) =	ssettm $0x7FFFFFFF  }
tec
execute0_lowered:
.L_overlay_start_1:
0x0: {  	(tag) =	ssettag $0x1  }
0x1: {  	s3 =	rddreg [dreg:$0x0]  }
0x2: {  	s4 =	rddreg [dreg:$0x1]  }
0x3: {  	s5 =	rddreg [dreg:$0x2]  }
0x4: {  	s0 =	rddreg [dreg:$0x3];
	s2 =	simm.s32 $0x0;
	s6 =	srdreg.scid  }
0x5: {  	s1 =	stileid.u32;
	s10 =	simm.s32 $0x10000;
	s11 =	simm.s32 $0x10800  }
0x6: {  	s12 =	simm.s32 $0x0;
	[smem:$0x7FF] =	sst s2;
	s6 =	sand.u32 $0x1, s6  }
0x7: {  	s8 =	sshll.u32 s1, $0xB;
	s7 =	ssub.s32 $0x2, s6;
	s6 =	sshll.u32 s6, $0xA  }
0x8: {  	_ =	strace $0x80000047;
	s9 =	sshrl.u32 s7, $0x1;
	s6 =	sor.u32 s6, s8  }
0x9: {  	s8 =	simm.s32 $0x40000;
	s3 =	sadd.s32 s3, s6;
	s6 =	sshrl.u32 s6, $0x2  }
0xa: {  	s7 =	ssub.s32 s7, s9;
	s9 =	simm.s32 $0x1;
	s4 =	sadd.s32 s4, s6  }
0xb: {  	v0 =	vimm.s32 $0x0;
	s5 =	sadd.s32 s5, s6;
	s6 =	smax.u32 s7, $0x1;
	s7 =	simm.s32 $0x2000  }
.LBB2_1:
0xc: {  	[tilespmem:s2], [sflag:$0x1] =	stream.strided.gather [hbm4b:s3+s7], $0x10000, s8, s7, $0x38;
	[tilespmem:$0x11000] =	vst v63  }
0xd: {  	_ =	swait.ge [sflag:s9], $0x10000  }
0xe: {  	s13 =	sand.u32 $0x70, s2;
	s14 =	sand.u32 $0x1C00, s2;
	[sflag:s9] =	ssyncset.done $0x0  }
0xf: {  	s14 =	sor.u32 s13, s14;
	[sflag:s9] =	ssyncadd.s32 $0xFFFF0000  }
0x10: {  	v1 =	vld [tilespmem:s14+$0x80]  }
0x11: {  	v2 =	vld [tilespmem:s14+$0x0];
	_ =	sdelay $0x2  }
0x12: {  	v3 =	vld [tilespmem:s14+$0x100]  }
0x13: {  	vm0 =	vlt.f32 v1, $-Inf;
	vm1 =	vgt.f32 v1, $-Inf  }
0x14: {  	vm2 =	vgt.f32 v1, v2;
	vm0 =	vmor vm1, vm0  }
0x15: {  	v4 =	vld [tilespmem:s14+$0x180];
	vm11 =	vmneg vm2;
	v5 =	vnsel vm0, $0xFF800000, v1  }
0x16: {  	v5 =	vsel vm11, v5, v2  }
0x17: {  	v1 =	vsel vm11, v2, v1;
	vm3 =	vgt.f32 v3, v5  }
0x18: {  	v49 =	vld [tilespmem:s14+$0x200];
	vm4 =	vgt.f32 v3, v1;
	v2 =	vsel vm3, v3, v5  }
0x19: {  	v2 =	vsel vm4, v1, v2  }
0x1a: {  	v1 =	vsel vm4, v3, v1;
	vm5 =	vgt.f32 v4, v2  }
0x1b: {  	v3 =	vld [tilespmem:s14+$0x280];
	vm6 =	vgt.f32 v4, v1;
	v2 =	vsel vm5, v4, v2  }
0x1c: {  	v2 =	vsel vm6, v1, v2  }
0x1d: {  	v1 =	vsel vm6, v4, v1;
	vm12 =	vgt.f32 v49, v2  }
0x1e: {  	v51 =	vld [tilespmem:s14+$0x300];
	vm13 =	vgt.f32 v49, v1;
	v2 =	vsel vm12, v49, v2  }
0x1f: {  	s15 =	sor.u32 s2, s2;
	v2 =	vsel vm13, v1, v2  }
0x20: {  	s15 =	sor.u32 $0x380, s15;
	v6 =	vsel vm2, $0x1, v0;
	v1 =	vsel vm13, v49, v1;
	vm14 =	vgt.f32 v3, v2  }
0x21: {  	v53 =	vld [tilespmem:s15+$0x0];
	vm0 =	vmand vm11, vm0;
	vm15 =	vgt.f32 v3, v1;
	v2 =	vsel vm14, v3, v2  }
0x22: {  	v7 =	vsel vm0, $0x1, v0;
	v52 =	vsel vm4, $0x2, v6;
	v2 =	vsel vm15, v1, v2  }
0x23: {  	v50 =	vsel vm3, $0x2, v7;
	v1 =	vsel vm15, v3, v1;
	vm8 =	vgt.f32 v51, v2  }
0x24: {  	v54 =	vld [tilespmem:s14+$0x2000];
	v4 =	vsel vm4, v6, v50;
	vm9 =	vgt.f32 v51, v1;
	v2 =	vsel vm8, v51, v2  }
0x25: {  	v5 =	vsel vm6, $0x3, v52;
	v4 =	vsel vm5, $0x3, v4;
	v2 =	vsel vm9, v1, v2  }
0x26: {  	v4 =	vsel vm6, v52, v4;
	v1 =	vsel vm9, v51, v1;
	vm10 =	vgt.f32 v53, v2  }
0x27: {  	v55 =	vld [tilespmem:s14+$0x2080];
	v3 =	vsel vm12, $0x4, v4;
	vm11 =	vgt.f32 v53, v1;
	v2 =	vsel vm10, v53, v2  }
0x28: {  	v3 =	vsel vm13, v5, v3;
	v2 =	vsel vm11, v1, v2  }
0x29: {  	v5 =	vsel vm13, $0x4, v5;
	v1 =	vsel vm11, v53, v1;
	vm12 =	vgt.f32 v54, v2  }
0x2a: {  	v56 =	vld [tilespmem:s14+$0x2100];
	v3 =	vsel vm14, $0x5, v3;
	vm13 =	vgt.f32 v54, v1;
	v2 =	vsel vm12, v54, v2  }
0x2b: {  	v3 =	vsel vm15, v5, v3;
	v2 =	vsel vm13, v1, v2  }
0x2c: {  	v5 =	vsel vm15, $0x5, v5;
	v1 =	vsel vm13, v54, v1;
	vm14 =	vgt.f32 v55, v2  }
0x2d: {  	v57 =	vld [tilespmem:s14+$0x2180];
	v3 =	vsel vm8, $0x6, v3;
	vm15 =	vgt.f32 v55, v1;
	v2 =	vsel vm14, v55, v2  }
0x2e: {  	v3 =	vsel vm9, v5, v3;
	v2 =	vsel vm15, v1, v2  }
0x2f: {  	v5 =	vsel vm9, $0x6, v5;
	v1 =	vsel vm15, v55, v1;
	vm8 =	vgt.f32 v56, v2  }
0x30: {  	v58 =	vld [tilespmem:s14+$0x2200];
	v3 =	vsel vm10, $0x7, v3;
	vm9 =	vgt.f32 v56, v1;
	v2 =	vsel vm8, v56, v2  }
0x31: {  	v3 =	vsel vm11, v5, v3;
	v2 =	vsel vm9, v1, v2  }
0x32: {  	v5 =	vsel vm11, $0x7, v5;
	v1 =	vsel vm9, v56, v1;
	vm10 =	vgt.f32 v57, v2  }
0x33: {  	v59 =	vld [tilespmem:s14+$0x2280];
	v3 =	vsel vm12, $0x8, v3;
	vm11 =	vgt.f32 v57, v1;
	v2 =	vsel vm10, v57, v2  }
0x34: {  	v3 =	vsel vm13, v5, v3;
	v2 =	vsel vm11, v1, v2  }
0x35: {  	v5 =	vsel vm13, $0x8, v5;
	v1 =	vsel vm11, v57, v1;
	vm12 =	vgt.f32 v58, v2  }
0x36: {  	v60 =	vld [tilespmem:s14+$0x2300];
	v3 =	vsel vm14, $0x9, v3;
	vm13 =	vgt.f32 v58, v1;
	v2 =	vsel vm12, v58, v2  }
0x37: {  	v3 =	vsel vm15, v5, v3;
	v2 =	vsel vm13, v1, v2  }
0x38: {  	v5 =	vsel vm15, $0x9, v5;
	v1 =	vsel vm13, v58, v1;
	vm14 =	vgt.f32 v59, v2  }
0x39: {  	v61 =	vld [tilespmem:s14+$0x2380];
	v3 =	vsel vm8, $0xA, v3;
	vm15 =	vgt.f32 v59, v1;
	v2 =	vsel vm14, v59, v2  }
0x3a: {  	v3 =	vsel vm9, v5, v3;
	v2 =	vsel vm15, v1, v2  }
0x3b: {  	v5 =	vsel vm9, $0xA, v5;
	v1 =	vsel vm15, v59, v1;
	vm8 =	vgt.f32 v60, v2  }
0x3c: {  	v62 =	vld [tilespmem:s14+$0x4000];
	v3 =	vsel vm10, $0xB, v3;
	vm9 =	vgt.f32 v60, v1;
	v2 =	vsel vm8, v60, v2  }
0x3d: {  	v3 =	vsel vm11, v5, v3;
	v2 =	vsel vm9, v1, v2  }
0x3e: {  	v5 =	vsel vm11, $0xB, v5;
	v1 =	vsel vm9, v60, v1;
	vm10 =	vgt.f32 v61, v2  }
0x3f: {  	v63 =	vld [tilespmem:s14+$0x4080];
	v3 =	vsel vm12, $0xC, v3;
	vm11 =	vgt.f32 v61, v1;
	v2 =	vsel vm10, v61, v2  }
0x40: {  	v3 =	vsel vm13, v5, v3;
	v2 =	vsel vm11, v1, v2  }
0x41: {  	v5 =	vsel vm13, $0xC, v5;
	v1 =	vsel vm11, v61, v1;
	vm12 =	vgt.f32 v62, v2  }
0x42: {  	v9 =	vld [tilespmem:s14+$0x4100];
	v3 =	vsel vm14, $0xD, v3;
	vm13 =	vgt.f32 v62, v1;
	v2 =	vsel vm12, v62, v2  }
0x43: {  	v3 =	vsel vm15, v5, v3;
	v2 =	vsel vm13, v1, v2  }
0x44: {  	v5 =	vsel vm15, $0xD, v5;
	v1 =	vsel vm13, v62, v1;
	vm14 =	vgt.f32 v63, v2  }
0x45: {  	v10 =	vld [tilespmem:s14+$0x4180];
	v3 =	vsel vm8, $0xE, v3;
	vm15 =	vgt.f32 v63, v1;
	v2 =	vsel vm14, v63, v2  }
0x46: {  	v3 =	vsel vm9, v5, v3;
	v2 =	vsel vm15, v1, v2  }
0x47: {  	v5 =	vsel vm9, $0xE, v5;
	v1 =	vsel vm15, v63, v1;
	vm8 =	vgt.f32 v9, v2  }
0x48: {  	v11 =	vld [tilespmem:s14+$0x4200];
	v3 =	vsel vm10, $0xF, v3;
	vm9 =	vgt.f32 v9, v1;
	v2 =	vsel vm8, v9, v2  }
0x49: {  	v3 =	vsel vm11, v5, v3;
	v2 =	vsel vm9, v1, v2  }
0x4a: {  	v5 =	vsel vm11, $0xF, v5;
	v1 =	vsel vm9, v9, v1;
	vm10 =	vgt.f32 v10, v2  }
0x4b: {  	v12 =	vld [tilespmem:s14+$0x4280];
	v3 =	vsel vm12, $0x10, v3;
	vm11 =	vgt.f32 v10, v1;
	v2 =	vsel vm10, v10, v2  }
0x4c: {  	v3 =	vsel vm13, v5, v3;
	v2 =	vsel vm11, v1, v2  }
0x4d: {  	v5 =	vsel vm13, $0x10, v5;
	v1 =	vsel vm11, v10, v1;
	vm12 =	vgt.f32 v11, v2  }
0x4e: {  	v13 =	vld [tilespmem:s14+$0x4300];
	v3 =	vsel vm14, $0x11, v3;
	vm13 =	vgt.f32 v11, v1;
	v2 =	vsel vm12, v11, v2  }
0x4f: {  	v3 =	vsel vm15, v5, v3;
	v2 =	vsel vm13, v1, v2  }
0x50: {  	v5 =	vsel vm15, $0x11, v5;
	v1 =	vsel vm13, v11, v1;
	vm14 =	vgt.f32 v12, v2  }
0x51: {  	v14 =	vld [tilespmem:s14+$0x4380];
	v3 =	vsel vm8, $0x12, v3;
	vm15 =	vgt.f32 v12, v1;
	v2 =	vsel vm14, v12, v2  }
0x52: {  	v3 =	vsel vm9, v5, v3;
	v2 =	vsel vm15, v1, v2  }
0x53: {  	v5 =	vsel vm9, $0x12, v5;
	v1 =	vsel vm15, v12, v1;
	vm8 =	vgt.f32 v13, v2  }
0x54: {  	v15 =	vld [tilespmem:s14+$0x6000];
	v3 =	vsel vm10, $0x13, v3;
	vm9 =	vgt.f32 v13, v1;
	v2 =	vsel vm8, v13, v2  }
0x55: {  	v3 =	vsel vm11, v5, v3;
	v2 =	vsel vm9, v1, v2  }
0x56: {  	v5 =	vsel vm11, $0x13, v5;
	v1 =	vsel vm9, v13, v1;
	vm10 =	vgt.f32 v14, v2  }
0x57: {  	v16 =	vld [tilespmem:s14+$0x6080];
	v3 =	vsel vm12, $0x14, v3;
	vm11 =	vgt.f32 v14, v1;
	v2 =	vsel vm10, v14, v2  }
0x58: {  	v3 =	vsel vm13, v5, v3;
	v2 =	vsel vm11, v1, v2  }
0x59: {  	v5 =	vsel vm13, $0x14, v5;
	v1 =	vsel vm11, v14, v1;
	vm12 =	vgt.f32 v15, v2  }
0x5a: {  	v17 =	vld [tilespmem:s14+$0x6100];
	v3 =	vsel vm14, $0x15, v3;
	vm13 =	vgt.f32 v15, v1;
	v2 =	vsel vm12, v15, v2  }
0x5b: {  	v3 =	vsel vm15, v5, v3;
	v2 =	vsel vm13, v1, v2  }
0x5c: {  	v5 =	vsel vm15, $0x15, v5;
	v1 =	vsel vm13, v15, v1;
	vm14 =	vgt.f32 v16, v2  }
0x5d: {  	v18 =	vld [tilespmem:s14+$0x6180];
	v3 =	vsel vm8, $0x16, v3;
	vm15 =	vgt.f32 v16, v1;
	v2 =	vsel vm14, v16, v2  }
0x5e: {  	v3 =	vsel vm9, v5, v3;
	v2 =	vsel vm15, v1, v2  }
0x5f: {  	v5 =	vsel vm9, $0x16, v5;
	v1 =	vsel vm15, v16, v1;
	vm8 =	vgt.f32 v17, v2  }
0x60: {  	v19 =	vld [tilespmem:s14+$0x6200];
	v3 =	vsel vm10, $0x17, v3;
	vm9 =	vgt.f32 v17, v1;
	v2 =	vsel vm8, v17, v2  }
0x61: {  	v3 =	vsel vm11, v5, v3;
	v2 =	vsel vm9, v1, v2  }
0x62: {  	v5 =	vsel vm11, $0x17, v5;
	v1 =	vsel vm9, v17, v1;
	vm10 =	vgt.f32 v18, v2  }
0x63: {  	v20 =	vld [tilespmem:s14+$0x6280];
	v3 =	vsel vm12, $0x18, v3;
	vm11 =	vgt.f32 v18, v1;
	v2 =	vsel vm10, v18, v2  }
0x64: {  	v3 =	vsel vm13, v5, v3;
	v2 =	vsel vm11, v1, v2  }
0x65: {  	v5 =	vsel vm13, $0x18, v5;
	v1 =	vsel vm11, v18, v1;
	vm12 =	vgt.f32 v19, v2  }
0x66: {  	v21 =	vld [tilespmem:s14+$0x6300];
	v3 =	vsel vm14, $0x19, v3;
	vm13 =	vgt.f32 v19, v1;
	v2 =	vsel vm12, v19, v2  }
0x67: {  	v3 =	vsel vm15, v5, v3;
	v2 =	vsel vm13, v1, v2  }
0x68: {  	v5 =	vsel vm15, $0x19, v5;
	v1 =	vsel vm13, v19, v1;
	vm14 =	vgt.f32 v20, v2  }
0x69: {  	v22 =	vld [tilespmem:s14+$0x6380];
	v3 =	vsel vm8, $0x1A, v3;
	vm15 =	vgt.f32 v20, v1;
	v2 =	vsel vm14, v20, v2  }
0x6a: {  	v3 =	vsel vm9, v5, v3;
	v2 =	vsel vm15, v1, v2  }
0x6b: {  	v5 =	vsel vm9, $0x1A, v5;
	v1 =	vsel vm15, v20, v1;
	vm8 =	vgt.f32 v21, v2  }
0x6c: {  	v23 =	vld [tilespmem:s14+$0x8000];
	v3 =	vsel vm10, $0x1B, v3;
	vm9 =	vgt.f32 v21, v1;
	v2 =	vsel vm8, v21, v2  }
0x6d: {  	v3 =	vsel vm11, v5, v3;
	v2 =	vsel vm9, v1, v2  }
0x6e: {  	v5 =	vsel vm11, $0x1B, v5;
	v1 =	vsel vm9, v21, v1;
	vm10 =	vgt.f32 v22, v2  }
0x6f: {  	v24 =	vld [tilespmem:s14+$0x8080];
	v3 =	vsel vm12, $0x1C, v3;
	vm11 =	vgt.f32 v22, v1;
	v2 =	vsel vm10, v22, v2  }
0x70: {  	v3 =	vsel vm13, v5, v3;
	v2 =	vsel vm11, v1, v2  }
0x71: {  	v5 =	vsel vm13, $0x1C, v5;
	v1 =	vsel vm11, v22, v1;
	vm12 =	vgt.f32 v23, v2  }
0x72: {  	v25 =	vld [tilespmem:s14+$0x8100];
	v3 =	vsel vm14, $0x1D, v3;
	vm13 =	vgt.f32 v23, v1;
	v2 =	vsel vm12, v23, v2  }
0x73: {  	v3 =	vsel vm15, v5, v3;
	v2 =	vsel vm13, v1, v2  }
0x74: {  	v5 =	vsel vm15, $0x1D, v5;
	v1 =	vsel vm13, v23, v1;
	vm14 =	vgt.f32 v24, v2  }
0x75: {  	v26 =	vld [tilespmem:s14+$0x8180];
	v3 =	vsel vm8, $0x1E, v3;
	vm15 =	vgt.f32 v24, v1;
	v2 =	vsel vm14, v24, v2  }
0x76: {  	v3 =	vsel vm9, v5, v3;
	v2 =	vsel vm15, v1, v2  }
0x77: {  	v5 =	vsel vm9, $0x1E, v5;
	v1 =	vsel vm15, v24, v1;
	vm8 =	vgt.f32 v25, v2  }
0x78: {  	v27 =	vld [tilespmem:s14+$0x8200];
	v3 =	vsel vm10, $0x1F, v3;
	vm9 =	vgt.f32 v25, v1;
	v2 =	vsel vm8, v25, v2  }
0x79: {  	v3 =	vsel vm11, v5, v3;
	v2 =	vsel vm9, v1, v2  }
0x7a: {  	v5 =	vsel vm11, $0x1F, v5;
	v1 =	vsel vm9, v25, v1;
	vm10 =	vgt.f32 v26, v2  }
0x7b: {  	v28 =	vld [tilespmem:s14+$0x8280];
	v3 =	vsel vm12, $0x20, v3;
	vm11 =	vgt.f32 v26, v1;
	v2 =	vsel vm10, v26, v2  }
0x7c: {  	v3 =	vsel vm13, v5, v3;
	v2 =	vsel vm11, v1, v2  }
0x7d: {  	v5 =	vsel vm13, $0x20, v5;
	v1 =	vsel vm11, v26, v1;
	vm12 =	vgt.f32 v27, v2  }
0x7e: {  	v29 =	vld [tilespmem:s14+$0x8300];
	v3 =	vsel vm14, $0x21, v3;
	vm13 =	vgt.f32 v27, v1;
	v2 =	vsel vm12, v27, v2  }
0x7f: {  	v3 =	vsel vm15, v5, v3;
	v2 =	vsel vm13, v1, v2  }
0x80: {  	v5 =	vsel vm15, $0x21, v5;
	v1 =	vsel vm13, v27, v1;
	vm14 =	vgt.f32 v28, v2  }
0x81: {  	v30 =	vld [tilespmem:s14+$0x8380];
	v3 =	vsel vm8, $0x22, v3;
	vm15 =	vgt.f32 v28, v1;
	v2 =	vsel vm14, v28, v2  }
0x82: {  	v3 =	vsel vm9, v5, v3;
	v5 =	vsel vm9, $0x22, v5;
	v2 =	vsel vm15, v1, v2  }
0x83: {  	v3 =	vsel vm10, $0x23, v3;
	v1 =	vsel vm15, v28, v1;
	vm8 =	vgt.f32 v29, v2  }
0x84: {  	v31 =	vld [tilespmem:s14+$0xA000];
	v3 =	vsel vm11, v5, v3;
	vm9 =	vgt.f32 v29, v1;
	v2 =	vsel vm8, v29, v2  }
0x85: {  	v5 =	vsel vm11, $0x23, v5;
	v3 =	vsel vm12, $0x24, v3;
	v2 =	vsel vm9, v1, v2  }
0x86: {  	v32 =	vsel vm13, $0x24, v5;
	v1 =	vsel vm9, v29, v1;
	vm10 =	vgt.f32 v30, v2  }
0x87: {  	v33 =	vld [tilespmem:s14+$0xA080];
	v3 =	vsel vm13, v5, v3;
	vm11 =	vgt.f32 v30, v1;
	v2 =	vsel vm10, v30, v2  }
0x88: {  	v3 =	vsel vm14, $0x25, v3;
	v4 =	vsel vm15, $0x25, v32;
	v2 =	vsel vm11, v1, v2  }
0x89: {  	v3 =	vsel vm15, v32, v3;
	v1 =	vsel vm11, v30, v1;
	vm12 =	vgt.f32 v31, v2  }
0x8a: {  	v34 =	vld [tilespmem:s14+$0xA100];
	v3 =	vsel vm8, $0x26, v3;
	vm13 =	vgt.f32 v31, v1;
	v2 =	vsel vm12, v31, v2  }
0x8b: {  	v3 =	vsel vm9, v4, v3;
	v2 =	vsel vm13, v1, v2  }
0x8c: {  	v4 =	vsel vm9, $0x26, v4;
	v1 =	vsel vm13, v31, v1;
	vm14 =	vgt.f32 v33, v2  }
0x8d: {  	v35 =	vld [tilespmem:s14+$0xA180];
	v3 =	vsel vm10, $0x27, v3;
	vm15 =	vgt.f32 v33, v1;
	v2 =	vsel vm14, v33, v2  }
0x8e: {  	v3 =	vsel vm11, v4, v3;
	v2 =	vsel vm15, v1, v2  }
0x8f: {  	v4 =	vsel vm11, $0x27, v4;
	v1 =	vsel vm15, v33, v1;
	vm8 =	vgt.f32 v34, v2  }
0x90: {  	v36 =	vld [tilespmem:s14+$0xA200];
	v3 =	vsel vm12, $0x28, v3;
	vm9 =	vgt.f32 v34, v1;
	v2 =	vsel vm8, v34, v2  }
0x91: {  	v3 =	vsel vm13, v4, v3;
	v2 =	vsel vm9, v1, v2  }
0x92: {  	v4 =	vsel vm13, $0x28, v4;
	v1 =	vsel vm9, v34, v1;
	vm10 =	vgt.f32 v35, v2  }
0x93: {  	v37 =	vld [tilespmem:s14+$0xA280];
	v3 =	vsel vm14, $0x29, v3;
	vm11 =	vgt.f32 v35, v1;
	v2 =	vsel vm10, v35, v2  }
0x94: {  	v3 =	vsel vm15, v4, v3;
	v2 =	vsel vm11, v1, v2  }
0x95: {  	v4 =	vsel vm15, $0x29, v4;
	v1 =	vsel vm11, v35, v1;
	vm12 =	vgt.f32 v36, v2  }
0x96: {  	v38 =	vld [tilespmem:s14+$0xA300];
	v3 =	vsel vm8, $0x2A, v3;
	vm13 =	vgt.f32 v36, v1;
	v2 =	vsel vm12, v36, v2  }
0x97: {  	v3 =	vsel vm9, v4, v3;
	v2 =	vsel vm13, v1, v2  }
0x98: {  	v4 =	vsel vm9, $0x2A, v4;
	v1 =	vsel vm13, v36, v1;
	vm14 =	vgt.f32 v37, v2  }
0x99: {  	v39 =	vld [tilespmem:s14+$0xA380];
	v3 =	vsel vm10, $0x2B, v3;
	vm15 =	vgt.f32 v37, v1;
	v2 =	vsel vm14, v37, v2  }
0x9a: {  	v3 =	vsel vm11, v4, v3;
	v2 =	vsel vm15, v1, v2  }
0x9b: {  	v4 =	vsel vm11, $0x2B, v4;
	v1 =	vsel vm15, v37, v1;
	vm8 =	vgt.f32 v38, v2  }
0x9c: {  	v40 =	vld [tilespmem:s14+$0xC000];
	v3 =	vsel vm12, $0x2C, v3;
	vm9 =	vgt.f32 v38, v1;
	v2 =	vsel vm8, v38, v2  }
0x9d: {  	v3 =	vsel vm13, v4, v3;
	v2 =	vsel vm9, v1, v2  }
0x9e: {  	v4 =	vsel vm13, $0x2C, v4;
	v1 =	vsel vm9, v38, v1;
	vm10 =	vgt.f32 v39, v2  }
0x9f: {  	v41 =	vld [tilespmem:s14+$0xC080];
	v3 =	vsel vm14, $0x2D, v3;
	vm11 =	vgt.f32 v39, v1;
	v2 =	vsel vm10, v39, v2  }
0xa0: {  	v3 =	vsel vm15, v4, v3;
	v2 =	vsel vm11, v1, v2  }
0xa1: {  	v4 =	vsel vm15, $0x2D, v4;
	v1 =	vsel vm11, v39, v1;
	vm12 =	vgt.f32 v40, v2  }
0xa2: {  	v42 =	vld [tilespmem:s14+$0xC100];
	v3 =	vsel vm8, $0x2E, v3;
	vm13 =	vgt.f32 v40, v1;
	v2 =	vsel vm12, v40, v2  }
0xa3: {  	v3 =	vsel vm9, v4, v3;
	v2 =	vsel vm13, v1, v2  }
0xa4: {  	v4 =	vsel vm9, $0x2E, v4;
	v1 =	vsel vm13, v40, v1;
	vm14 =	vgt.f32 v41, v2  }
0xa5: {  	v43 =	vld [tilespmem:s14+$0xC180];
	v3 =	vsel vm10, $0x2F, v3;
	vm15 =	vgt.f32 v41, v1;
	v2 =	vsel vm14, v41, v2  }
0xa6: {  	v3 =	vsel vm11, v4, v3;
	v2 =	vsel vm15, v1, v2  }
0xa7: {  	v4 =	vsel vm11, $0x2F, v4;
	v1 =	vsel vm15, v41, v1;
	vm8 =	vgt.f32 v42, v2  }
0xa8: {  	v44 =	vld [tilespmem:s14+$0xC200];
	v3 =	vsel vm12, $0x30, v3;
	vm9 =	vgt.f32 v42, v1;
	v2 =	vsel vm8, v42, v2  }
0xa9: {  	v3 =	vsel vm13, v4, v3;
	v2 =	vsel vm9, v1, v2  }
0xaa: {  	v4 =	vsel vm13, $0x30, v4;
	v1 =	vsel vm9, v42, v1;
	vm10 =	vgt.f32 v43, v2  }
0xab: {  	v45 =	vld [tilespmem:s14+$0xC280];
	v3 =	vsel vm14, $0x31, v3;
	vm11 =	vgt.f32 v43, v1;
	v2 =	vsel vm10, v43, v2  }
0xac: {  	v3 =	vsel vm15, v4, v3;
	v2 =	vsel vm11, v1, v2  }
0xad: {  	v4 =	vsel vm15, $0x31, v4;
	v1 =	vsel vm11, v43, v1;
	vm12 =	vgt.f32 v44, v2  }
0xae: {  	v46 =	vld [tilespmem:s14+$0xC300];
	v3 =	vsel vm8, $0x32, v3;
	vm13 =	vgt.f32 v44, v1;
	v2 =	vsel vm12, v44, v2  }
0xaf: {  	v3 =	vsel vm9, v4, v3;
	v2 =	vsel vm13, v1, v2  }
0xb0: {  	v4 =	vsel vm9, $0x32, v4;
	v1 =	vsel vm13, v44, v1;
	vm14 =	vgt.f32 v45, v2  }
0xb1: {  	v47 =	vld [tilespmem:s14+$0xC380];
	v3 =	vsel vm10, $0x33, v3;
	vm15 =	vgt.f32 v45, v1;
	v2 =	vsel vm14, v45, v2  }
0xb2: {  	v3 =	vsel vm11, v4, v3;
	v2 =	vsel vm15, v1, v2  }
0xb3: {  	v4 =	vsel vm11, $0x33, v4;
	v1 =	vsel vm15, v45, v1;
	vm8 =	vgt.f32 v46, v2  }
0xb4: {  	v48 =	vld [tilespmem:s14+$0xE000];
	v3 =	vsel vm12, $0x34, v3;
	vm9 =	vgt.f32 v46, v1;
	v2 =	vsel vm8, v46, v2  }
0xb5: {  	v3 =	vsel vm13, v4, v3;
	v2 =	vsel vm9, v1, v2  }
0xb6: {  	v4 =	vsel vm13, $0x34, v4;
	v1 =	vsel vm9, v46, v1;
	vm10 =	vgt.f32 v47, v2  }
0xb7: {  	v49 =	vld [tilespmem:s14+$0xE080];
	v3 =	vsel vm14, $0x35, v3;
	vm11 =	vgt.f32 v47, v1;
	v2 =	vsel vm10, v47, v2  }
0xb8: {  	v3 =	vsel vm15, v4, v3;
	v4 =	vsel vm15, $0x35, v4;
	v2 =	vsel vm11, v1, v2  }
0xb9: {  	v3 =	vsel vm8, $0x36, v3;
	v1 =	vsel vm11, v47, v1;
	vm12 =	vgt.f32 v48, v2  }
0xba: {  	v50 =	vld [tilespmem:s14+$0xE100];
	v3 =	vsel vm9, v4, v3;
	vm13 =	vgt.f32 v48, v1;
	v2 =	vsel vm12, v48, v2  }
0xbb: {  	v4 =	vsel vm9, $0x36, v4;
	v3 =	vsel vm10, $0x37, v3;
	v2 =	vsel vm13, v1, v2  }
0xbc: {  	v3 =	vsel vm11, v4, v3;
	v1 =	vsel vm13, v48, v1;
	vm14 =	vgt.f32 v49, v2  }
0xbd: {  	v51 =	vld [tilespmem:s14+$0xE180];
	v4 =	vsel vm11, $0x37, v4;
	vm15 =	vgt.f32 v49, v1;
	v2 =	vsel vm14, v49, v2  }
0xbe: {  	v3 =	vsel vm12, $0x38, v3;
	v8 =	vsel vm13, $0x38, v4;
	v2 =	vsel vm15, v1, v2  }
0xbf: {  	v3 =	vsel vm13, v4, v3;
	v1 =	vsel vm15, v49, v1;
	vm4 =	vgt.f32 v50, v2  }
0xc0: {  	v52 =	vld [tilespmem:s14+$0xE200];
	v3 =	vsel vm14, $0x39, v3;
	vm5 =	vgt.f32 v50, v1;
	v2 =	vsel vm4, v50, v2  }
0xc1: {  	v53 =	vsel vm15, $0x39, v8;
	v3 =	vsel vm15, v8, v3;
	v2 =	vsel vm5, v1, v2  }
0xc2: {  	v3 =	vsel vm4, $0x3A, v3;
	v1 =	vsel vm5, v50, v1;
	vm6 =	vgt.f32 v51, v2  }
0xc3: {  	v54 =	vld [tilespmem:s14+$0xE280];
	v3 =	vsel vm5, v53, v3;
	vm7 =	vgt.f32 v51, v1;
	v2 =	vsel vm6, v51, v2  }
0xc4: {  	v7 =	vsel vm5, $0x3A, v53;
	v3 =	vsel vm6, $0x3B, v3;
	v2 =	vsel vm7, v1, v2  }
0xc5: {  	v55 =	vld [tilespmem:s14+$0xE300];
	v56 =	vsel vm7, $0x3B, v7;
	v1 =	vsel vm7, v51, v1;
	vm8 =	vgt.f32 v52, v2  }
0xc6: {  	v3 =	vsel vm7, v7, v3;
	vm9 =	vgt.f32 v52, v1;
	v2 =	vsel vm8, v52, v2  }
0xc7: {  	v4 =	vsel vm9, v52, v1;
	v3 =	vsel vm8, $0x3C, v3;
	v1 =	vsel vm9, v1, v2  }
0xc8: {  	v57 =	vsel vm9, $0x3C, v56;
	vm10 =	vgt.f32 v54, v4;
	v2 =	vld [tilespmem:s14+$0xE380];
	vm11 =	vgt.f32 v54, v1  }
0xc9: {  	v3 =	vsel vm9, v56, v3;
	v58 =	vsel vm10, v54, v4;
	v1 =	vsel vm11, v54, v1  }
0xca: {  	v60 =	vsel vm10, $0x3D, v57;
	vm12 =	vgt.f32 v55, v58;
	v1 =	vsel vm10, v4, v1  }
0xcb: {  	v3 =	vsel vm11, $0x3D, v3;
	v59 =	vsel vm12, v55, v58;
	vm13 =	vgt.f32 v55, v1  }
0xcc: {  	v3 =	vsel vm10, v57, v3;
	v61 =	vsel vm12, $0x3E, v60;
	v1 =	vsel vm13, v55, v1  }
0xcd: {  	s31 =	sand.u32 $0x700, s2;
	vm14 =	vgt.f32 v2, v59;
	v3 =	vsel vm13, $0x3E, v3;
	v1 =	vsel vm12, v58, v1  }
0xce: {  	s16 =	sor.u32 s13, s31;
	v62 =	vsel vm14, $0x3F, v61;
	v3 =	vsel vm12, v60, v3;
	vm15 =	vgt.f32 v2, v1  }
0xcf: {  	v63 =	vsel vm14, v2, v59;
	[tilespmem:s16+$0x10800] =	vst v62;
	v3 =	vsel vm15, $0x3F, v3;
	v1 =	vsel vm15, v2, v1  }
0xd0: {  	s13 =	simm.s32 $0x20;
	s15 =	simm.s32 $0x0;
	s14 =	simm.s32 $0x0;
	[tilespmem:s16+$0x10000] =	vst v63;
	v2 =	vsel vm14, v61, v3;
	v1 =	vsel vm14, v59, v1  }
.LBB2_2:
0xd1: {  	p0 =	sne.s32 s13, $0x7E0;
	[tilespmem:s16+$0x10880] =	vst v2;
	s14 =	sadd.s32 $0x80, s14;
	s15 =	sadd.s32 $0x10, s15  }
0xd2: {  	s17 =	smov.u32 s13;
	s13 =	sadd.s32 $0x20, s13;
	[tilespmem:s16+$0x10080] =	vst v1;
	_ =	sdelay $0x1  }
0xd3: {  	s16 =	sand.u32 $0x70, s15;
	s18 =	sand.u32 $0x1C00, s14  }
0xd4: {  	s18 =	sor.u32 s16, s18  }
0xd5: {  	v1 =	vld [tilespmem:s18+$0x80]  }
0xd6: {  	v2 =	vld [tilespmem:s18+$0x0];
	_ =	sdelay $0x2  }
0xd7: {  	v3 =	vld [tilespmem:s18+$0x100]  }
0xd8: {  	vm0 =	vlt.f32 v1, $-Inf;
	vm1 =	vgt.f32 v1, $-Inf  }
0xd9: {  	vm2 =	vgt.f32 v1, v2;
	vm0 =	vmor vm1, vm0;
	v4 =	vld [tilespmem:s18+$0x180]  }
0xda: {  	vm1 =	vmneg vm2;
	v5 =	vnsel vm0, $0xFF800000, v1;
	v6 =	vsel vm2, $0x1, v0  }
0xdb: {  	vm0 =	vmand vm1, vm0;
	v5 =	vsel vm1, v5, v2;
	v1 =	vsel vm1, v2, v1  }
0xdc: {  	v2 =	vsel vm0, $0x1, v0;
	vm0 =	vgt.f32 v3, v1;
	vm1 =	vgt.f32 v3, v5  }
0xdd: {  	v2 =	vsel vm1, $0x2, v2;
	v5 =	vsel vm1, v3, v5;
	v3 =	vsel vm0, v3, v1;
	v7 =	vld [tilespmem:s18+$0x200]  }
0xde: {  	v2 =	vsel vm0, v6, v2;
	v1 =	vsel vm0, v1, v5;
	vm1 =	vgt.f32 v4, v3  }
0xdf: {  	vm2 =	vgt.f32 v4, v1;
	v5 =	vsel vm1, v4, v3  }
0xe0: {  	v2 =	vsel vm2, $0x3, v2;
	v1 =	vsel vm2, v4, v1;
	v4 =	vld [tilespmem:s18+$0x280]  }
0xe1: {  	v6 =	vsel vm0, $0x2, v6;
	v1 =	vsel vm1, v3, v1  }
0xe2: {  	v2 =	vsel vm1, v6, v2;
	v3 =	vsel vm1, $0x3, v6;
	vm0 =	vgt.f32 v7, v1  }
0xe3: {  	vm1 =	vgt.f32 v7, v5;
	v2 =	vsel vm0, $0x4, v2;
	v1 =	vsel vm0, v7, v1;
	v6 =	vld [tilespmem:s18+$0x300]  }
0xe4: {  	s19 =	sor.u32 s14, s15;
	v2 =	vsel vm1, v3, v2;
	v1 =	vsel vm1, v5, v1;
	v5 =	vsel vm1, v7, v5  }
0xe5: {  	s19 =	sor.u32 $0x380, s19;
	v3 =	vsel vm1, $0x4, v3;
	vm0 =	vgt.f32 v4, v1  }
0xe6: {  	vm1 =	vgt.f32 v4, v5;
	v2 =	vsel vm0, $0x5, v2;
	v1 =	vsel vm0, v4, v1;
	v7 =	vld [tilespmem:s19+$0x0]  }
0xe7: {  	v4 =	vsel vm1, v4, v5;
	v2 =	vsel vm1, v3, v2;
	v1 =	vsel vm1, v5, v1  }
0xe8: {  	v3 =	vsel vm1, $0x5, v3;
	vm0 =	vgt.f32 v6, v1  }
0xe9: {  	vm1 =	vgt.f32 v6, v4;
	v2 =	vsel vm0, $0x6, v2;
	v1 =	vsel vm0, v6, v1;
	v5 =	vld [tilespmem:s18+$0x2000]  }
0xea: {  	v2 =	vsel vm1, v3, v2;
	v1 =	vsel vm1, v4, v1;
	v3 =	vsel vm1, $0x6, v3  }
0xeb: {  	v4 =	vsel vm1, v6, v4;
	vm0 =	vgt.f32 v7, v1  }
0xec: {  	vm1 =	vgt.f32 v7, v4;
	v2 =	vsel vm0, $0x7, v2;
	v1 =	vsel vm0, v7, v1;
	v6 =	vld [tilespmem:s18+$0x2080]  }
0xed: {  	v2 =	vsel vm1, v3, v2;
	v1 =	vsel vm1, v4, v1;
	v3 =	vsel vm1, $0x7, v3  }
0xee: {  	v4 =	vsel vm1, v7, v4;
	vm0 =	vgt.f32 v5, v1  }
0xef: {  	vm1 =	vgt.f32 v5, v4;
	v2 =	vsel vm0, $0x8, v2;
	v1 =	vsel vm0, v5, v1;
	v7 =	vld [tilespmem:s18+$0x2100]  }
0xf0: {  	v2 =	vsel vm1, v3, v2;
	v1 =	vsel vm1, v4, v1  }
0xf1: {  	v4 =	vsel vm1, v5, v4;
	vm0 =	vgt.f32 v6, v1  }
0xf2: {  	vm2 =	vgt.f32 v6, v4;
	v2 =	vsel vm0, $0x9, v2;
	v1 =	vsel vm0, v6, v1;
	v5 =	vld [tilespmem:s18+$0x2180]  }
0xf3: {  	v3 =	vsel vm1, $0x8, v3;
	v1 =	vsel vm2, v4, v1;
	v4 =	vsel vm2, v6, v4  }
0xf4: {  	v2 =	vsel vm2, v3, v2;
	v3 =	vsel vm2, $0x9, v3;
	vm0 =	vgt.f32 v7, v1  }
0xf5: {  	vm1 =	vgt.f32 v7, v4;
	v2 =	vsel vm0, $0xA, v2;
	v1 =	vsel vm0, v7, v1;
	v6 =	vld [tilespmem:s18+$0x2200]  }
0xf6: {  	v2 =	vsel vm1, v3, v2;
	v1 =	vsel vm1, v4, v1;
	v4 =	vsel vm1, v7, v4  }
0xf7: {  	v3 =	vsel vm1, $0xA, v3;
	vm0 =	vgt.f32 v5, v1  }
0xf8: {  	vm1 =	vgt.f32 v5, v4;
	v2 =	vsel vm0, $0xB, v2;
	v1 =	vsel vm0, v5, v1;
	v7 =	vld [tilespmem:s18+$0x2280]  }
0xf9: {  	v2 =	vsel vm1, v3, v2;
	v1 =	vsel vm1, v4, v1  }
0xfa: {  	v3 =	vsel vm1, $0xB, v3;
	v4 =	vsel vm1, v5, v4;
	vm0 =	vgt.f32 v6, v1  }
0xfb: {  	vm1 =	vgt.f32 v6, v4;
	v2 =	vsel vm0, $0xC, v2;
	v1 =	vsel vm0, v6, v1;
	v5 =	vld [tilespmem:s18+$0x2300]  }
0xfc: {  	v2 =	vsel vm1, v3, v2;
	v1 =	vsel vm1, v4, v1  }
0xfd: {  	v3 =	vsel vm1, $0xC, v3;
	v4 =	vsel vm1, v6, v4;
	vm0 =	vgt.f32 v7, v1  }
0xfe: {  	vm1 =	vgt.f32 v7, v4;
	v2 =	vsel vm0, $0xD, v2;
	v1 =	vsel vm0, v7, v1;
	v6 =	vld [tilespmem:s18+$0x2380]  }
0xff: {  	v2 =	vsel vm1, v3, v2;
	v1 =	vsel vm1, v4, v1  }
0x100: {  	v4 =	vsel vm1, v7, v4;
	vm0 =	vgt.f32 v5, v1  }
0x101: {  	v3 =	vsel vm1, $0xD, v3;
	vm1 =	vgt.f32 v5, v4;
	v1 =	vsel vm0, v5, v1;
	v7 =	vld [tilespmem:s18+$0x4000]  }
0x102: {  	v2 =	vsel vm0, $0xE, v2;
	v8 =	vsel vm1, $0xE, v3;
	v1 =	vsel vm1, v4, v1  }
0x103: {  	v2 =	vsel vm1, v3, v2;
	v3 =	vsel vm1, v5, v4;
	vm0 =	vgt.f32 v6, v1  }
0x104: {  	vm1 =	vgt.f32 v6, v3;
	v2 =	vsel vm0, $0xF, v2;
	v1 =	vsel vm0, v6, v1;
	v4 =	vld [tilespmem:s18+$0x4080]  }
0x105: {  	v2 =	vsel vm1, v8, v2;
	v1 =	vsel vm1, v3, v1;
	v3 =	vsel vm1, v6, v3  }
0x106: {  	v5 =	vsel vm1, $0xF, v8;
	vm0 =	vgt.f32 v7, v1  }
0x107: {  	vm1 =	vgt.f32 v7, v3;
	v2 =	vsel vm0, $0x10, v2;
	v1 =	vsel vm0, v7, v1;
	v6 =	vld [tilespmem:s18+$0x4100]  }
0x108: {  	v8 =	vsel vm1, $0x10, v5;
	v1 =	vsel vm1, v3, v1;
	v3 =	vsel vm1, v7, v3  }
0x109: {  	v2 =	vsel vm1, v5, v2;
	vm0 =	vgt.f32 v4, v1  }
0x10a: {  	vm1 =	vgt.f32 v4, v3;
	v2 =	vsel vm0, $0x11, v2;
	v1 =	vsel vm0, v4, v1;
	v5 =	vld [tilespmem:s18+$0x4180]  }
0x10b: {  	v2 =	vsel vm1, v8, v2;
	v1 =	vsel vm1, v3, v1;
	v3 =	vsel vm1, v4, v3  }
0x10c: {  	v4 =	vsel vm1, $0x11, v8;
	vm0 =	vgt.f32 v6, v1  }
0x10d: {  	vm1 =	vgt.f32 v6, v3;
	v1 =	vsel vm0, v6, v1;
	v7 =	vld [tilespmem:s18+$0x4200]  }
0x10e: {  	v2 =	vsel vm0, $0x12, v2;
	v8 =	vsel vm1, $0x12, v4;
	v1 =	vsel vm1, v3, v1  }
0x10f: {  	v2 =	vsel vm1, v4, v2;
	v3 =	vsel vm1, v6, v3;
	vm0 =	vgt.f32 v5, v1  }
0x110: {  	vm1 =	vgt.f32 v5, v3;
	v2 =	vsel vm0, $0x13, v2;
	v1 =	vsel vm0, v5, v1;
	v4 =	vld [tilespmem:s18+$0x4280]  }
0x111: {  	v2 =	vsel vm1, v8, v2;
	v1 =	vsel vm1, v3, v1;
	v3 =	vsel vm1, v5, v3  }
0x112: {  	vm0 =	vgt.f32 v7, v1  }
0x113: {  	v5 =	vsel vm1, $0x13, v8;
	vm1 =	vgt.f32 v7, v3;
	v1 =	vsel vm0, v7, v1;
	v6 =	vld [tilespmem:s18+$0x4300]  }
0x114: {  	v2 =	vsel vm0, $0x14, v2;
	v8 =	vsel vm1, $0x14, v5;
	v1 =	vsel vm1, v3, v1  }
0x115: {  	v2 =	vsel vm1, v5, v2;
	v3 =	vsel vm1, v7, v3;
	vm0 =	vgt.f32 v4, v1  }
0x116: {  	vm1 =	vgt.f32 v4, v3;
	v2 =	vsel vm0, $0x15, v2;
	v1 =	vsel vm0, v4, v1;
	v5 =	vld [tilespmem:s18+$0x4380]  }
0x117: {  	v7 =	vsel vm1, $0x15, v8;
	v2 =	vsel vm1, v8, v2;
	v1 =	vsel vm1, v3, v1  }
0x118: {  	v3 =	vsel vm1, v4, v3;
	vm0 =	vgt.f32 v6, v1  }
0x119: {  	vm1 =	vgt.f32 v6, v3;
	v2 =	vsel vm0, $0x16, v2;
	v1 =	vsel vm0, v6, v1;
	v4 =	vld [tilespmem:s18+$0x6000]  }
0x11a: {  	v2 =	vsel vm1, v7, v2;
	v1 =	vsel vm1, v3, v1;
	v3 =	vsel vm1, v6, v3  }
0x11b: {  	v6 =	vsel vm1, $0x16, v7;
	vm0 =	vgt.f32 v5, v1  }
0x11c: {  	vm1 =	vgt.f32 v5, v3;
	v2 =	vsel vm0, $0x17, v2;
	v1 =	vsel vm0, v5, v1;
	v7 =	vld [tilespmem:s18+$0x6080]  }
0x11d: {  	v2 =	vsel vm1, v6, v2;
	v1 =	vsel vm1, v3, v1;
	v3 =	vsel vm1, v5, v3  }
0x11e: {  	v5 =	vsel vm1, $0x17, v6;
	vm0 =	vgt.f32 v4, v1  }
0x11f: {  	vm1 =	vgt.f32 v4, v3;
	v2 =	vsel vm0, $0x18, v2;
	v1 =	vsel vm0, v4, v1;
	v6 =	vld [tilespmem:s18+$0x6100]  }
0x120: {  	v2 =	vsel vm1, v5, v2;
	v1 =	vsel vm1, v3, v1  }
0x121: {  	v5 =	vsel vm1, $0x18, v5;
	v3 =	vsel vm1, v4, v3;
	vm0 =	vgt.f32 v7, v1  }
0x122: {  	vm1 =	vgt.f32 v7, v3;
	v2 =	vsel vm0, $0x19, v2;
	v1 =	vsel vm0, v7, v1;
	v4 =	vld [tilespmem:s18+$0x6180]  }
0x123: {  	v2 =	vsel vm1, v5, v2;
	v1 =	vsel vm1, v3, v1;
	v3 =	vsel vm1, v7, v3  }
0x124: {  	v5 =	vsel vm1, $0x19, v5;
	vm0 =	vgt.f32 v6, v1  }
0x125: {  	vm1 =	vgt.f32 v6, v3;
	v2 =	vsel vm0, $0x1A, v2;
	v1 =	vsel vm0, v6, v1;
	v7 =	vld [tilespmem:s18+$0x6200]  }
0x126: {  	v2 =	vsel vm1, v5, v2;
	v1 =	vsel vm1, v3, v1  }
0x127: {  	v5 =	vsel vm1, $0x1A, v5;
	v3 =	vsel vm1, v6, v3;
	vm0 =	vgt.f32 v4, v1  }
0x128: {  	vm1 =	vgt.f32 v4, v3;
	v2 =	vsel vm0, $0x1B, v2;
	v1 =	vsel vm0, v4, v1;
	v6 =	vld [tilespmem:s18+$0x6280]  }
0x129: {  	v2 =	vsel vm1, v5, v2;
	v1 =	vsel vm1, v3, v1  }
0x12a: {  	v3 =	vsel vm1, v4, v3;
	vm0 =	vgt.f32 v7, v1  }
0x12b: {  	v4 =	vsel vm1, $0x1B, v5;
	vm1 =	vgt.f32 v7, v3;
	v1 =	vsel vm0, v7, v1;
	v5 =	vld [tilespmem:s18+$0x6300]  }
0x12c: {  	v2 =	vsel vm0, $0x1C, v2;
	v8 =	vsel vm1, $0x1C, v4;
	v1 =	vsel vm1, v3, v1  }
0x12d: {  	v2 =	vsel vm1, v4, v2;
	v3 =	vsel vm1, v7, v3;
	vm0 =	vgt.f32 v6, v1  }
0x12e: {  	vm1 =	vgt.f32 v6, v3;
	v2 =	vsel vm0, $0x1D, v2;
	v1 =	vsel vm0, v6, v1;
	v4 =	vld [tilespmem:s18+$0x6380]  }
0x12f: {  	v2 =	vsel vm1, v8, v2;
	v1 =	vsel vm1, v3, v1;
	v3 =	vsel vm1, v6, v3  }
0x130: {  	v6 =	vsel vm1, $0x1D, v8;
	vm0 =	vgt.f32 v5, v1  }
0x131: {  	vm1 =	vgt.f32 v5, v3;
	v2 =	vsel vm0, $0x1E, v2;
	v1 =	vsel vm0, v5, v1;
	v7 =	vld [tilespmem:s18+$0x8000]  }
0x132: {  	v2 =	vsel vm1, v6, v2;
	v1 =	vsel vm1, v3, v1  }
0x133: {  	v6 =	vsel vm1, $0x1E, v6;
	v3 =	vsel vm1, v5, v3;
	vm0 =	vgt.f32 v4, v1  }
0x134: {  	vm1 =	vgt.f32 v4, v3;
	v2 =	vsel vm0, $0x1F, v2;
	v1 =	vsel vm0, v4, v1;
	v5 =	vld [tilespmem:s18+$0x8080]  }
0x135: {  	v8 =	vsel vm1, $0x1F, v6;
	v1 =	vsel vm1, v3, v1  }
0x136: {  	v2 =	vsel vm1, v6, v2;
	v3 =	vsel vm1, v4, v3;
	vm0 =	vgt.f32 v7, v1  }
0x137: {  	vm1 =	vgt.f32 v7, v3;
	v2 =	vsel vm0, $0x20, v2;
	v1 =	vsel vm0, v7, v1;
	v4 =	vld [tilespmem:s18+$0x8100]  }
0x138: {  	v6 =	vsel vm1, $0x20, v8;
	v1 =	vsel vm1, v3, v1;
	v3 =	vsel vm1, v7, v3  }
0x139: {  	v2 =	vsel vm1, v8, v2;
	vm0 =	vgt.f32 v5, v1  }
0x13a: {  	vm1 =	vgt.f32 v5, v3;
	v2 =	vsel vm0, $0x21, v2;
	v1 =	vsel vm0, v5, v1;
	v7 =	vld [tilespmem:s18+$0x8180]  }
0x13b: {  	v2 =	vsel vm1, v6, v2;
	v1 =	vsel vm1, v3, v1;
	v6 =	vsel vm1, $0x21, v6  }
0x13c: {  	v3 =	vsel vm1, v5, v3;
	vm0 =	vgt.f32 v4, v1  }
0x13d: {  	vm1 =	vgt.f32 v4, v3;
	v2 =	vsel vm0, $0x22, v2;
	v1 =	vsel vm0, v4, v1;
	v5 =	vld [tilespmem:s18+$0x8200]  }
0x13e: {  	v2 =	vsel vm1, v6, v2;
	v1 =	vsel vm1, v3, v1  }
0x13f: {  	v3 =	vsel vm1, v4, v3;
	vm0 =	vgt.f32 v7, v1  }
0x140: {  	vm2 =	vgt.f32 v7, v3;
	v2 =	vsel vm0, $0x23, v2;
	v1 =	vsel vm0, v7, v1;
	v4 =	vld [tilespmem:s18+$0x8280]  }
0x141: {  	v6 =	vsel vm1, $0x22, v6;
	v1 =	vsel vm2, v3, v1;
	v3 =	vsel vm2, v7, v3  }
0x142: {  	v2 =	vsel vm2, v6, v2;
	vm0 =	vgt.f32 v5, v1  }
0x143: {  	vm1 =	vgt.f32 v5, v3;
	v2 =	vsel vm0, $0x24, v2;
	v1 =	vsel vm0, v5, v1;
	v7 =	vld [tilespmem:s18+$0x8300]  }
0x144: {  	v6 =	vsel vm2, $0x23, v6;
	v1 =	vsel vm1, v3, v1;
	v3 =	vsel vm1, v5, v3  }
0x145: {  	v2 =	vsel vm1, v6, v2;
	vm0 =	vgt.f32 v4, v1  }
0x146: {  	vm2 =	vgt.f32 v4, v3;
	v2 =	vsel vm0, $0x25, v2;
	v1 =	vsel vm0, v4, v1;
	v5 =	vld [tilespmem:s18+$0x8380]  }
0x147: {  	v6 =	vsel vm1, $0x24, v6;
	v1 =	vsel vm2, v3, v1;
	v3 =	vsel vm2, v4, v3  }
0x148: {  	v2 =	vsel vm2, v6, v2;
	v4 =	vsel vm2, $0x25, v6;
	vm0 =	vgt.f32 v7, v1  }
0x149: {  	vm1 =	vgt.f32 v7, v3;
	v2 =	vsel vm0, $0x26, v2;
	v1 =	vsel vm0, v7, v1;
	v6 =	vld [tilespmem:s18+$0xA000]  }
0x14a: {  	v2 =	vsel vm1, v4, v2;
	v1 =	vsel vm1, v3, v1  }
0x14b: {  	v3 =	vsel vm1, v7, v3;
	vm0 =	vgt.f32 v5, v1  }
0x14c: {  	vm2 =	vgt.f32 v5, v3;
	v2 =	vsel vm0, $0x27, v2;
	v1 =	vsel vm0, v5, v1;
	v7 =	vld [tilespmem:s18+$0xA080]  }
0x14d: {  	v4 =	vsel vm1, $0x26, v4;
	v1 =	vsel vm2, v3, v1;
	v3 =	vsel vm2, v5, v3  }
0x14e: {  	v2 =	vsel vm2, v4, v2;
	vm0 =	vgt.f32 v6, v1  }
0x14f: {  	vm1 =	vgt.f32 v6, v3;
	v2 =	vsel vm0, $0x28, v2;
	v1 =	vsel vm0, v6, v1;
	v5 =	vld [tilespmem:s18+$0xA100]  }
0x150: {  	v4 =	vsel vm2, $0x27, v4;
	v1 =	vsel vm1, v3, v1;
	v3 =	vsel vm1, v6, v3  }
0x151: {  	v6 =	vsel vm1, $0x28, v4;
	vm0 =	vgt.f32 v7, v1  }
0x152: {  	v2 =	vsel vm1, v4, v2;
	vm1 =	vgt.f32 v7, v3;
	v1 =	vsel vm0, v7, v1;
	v4 =	vld [tilespmem:s18+$0xA180]  }
0x153: {  	v2 =	vsel vm0, $0x29, v2;
	v1 =	vsel vm1, v3, v1;
	v3 =	vsel vm1, v7, v3  }
0x154: {  	v2 =	vsel vm1, v6, v2;
	v6 =	vsel vm1, $0x29, v6;
	vm0 =	vgt.f32 v5, v1  }
0x155: {  	vm1 =	vgt.f32 v5, v3;
	v2 =	vsel vm0, $0x2A, v2;
	v1 =	vsel vm0, v5, v1;
	v7 =	vld [tilespmem:s18+$0xA200]  }
0x156: {  	v8 =	vsel vm1, $0x2A, v6;
	v1 =	vsel vm1, v3, v1;
	v3 =	vsel vm1, v5, v3  }
0x157: {  	v2 =	vsel vm1, v6, v2;
	vm0 =	vgt.f32 v4, v1  }
0x158: {  	vm1 =	vgt.f32 v4, v3;
	v2 =	vsel vm0, $0x2B, v2;
	v1 =	vsel vm0, v4, v1;
	v5 =	vld [tilespmem:s18+$0xA280]  }
0x159: {  	v1 =	vsel vm1, v3, v1;
	v3 =	vsel vm1, v4, v3  }
0x15a: {  	v2 =	vsel vm1, v8, v2;
	vm0 =	vgt.f32 v7, v1  }
0x15b: {  	vm2 =	vgt.f32 v7, v3;
	v2 =	vsel vm0, $0x2C, v2;
	v1 =	vsel vm0, v7, v1;
	v4 =	vld [tilespmem:s18+$0xA300]  }
0x15c: {  	v6 =	vsel vm1, $0x2B, v8;
	v1 =	vsel vm2, v3, v1;
	v3 =	vsel vm2, v7, v3  }
0x15d: {  	v2 =	vsel vm2, v6, v2;
	v6 =	vsel vm2, $0x2C, v6;
	vm0 =	vgt.f32 v5, v1  }
0x15e: {  	vm1 =	vgt.f32 v5, v3;
	v2 =	vsel vm0, $0x2D, v2;
	v1 =	vsel vm0, v5, v1;
	v7 =	vld [tilespmem:s18+$0xA380]  }
0x15f: {  	v8 =	vsel vm1, $0x2D, v6;
	v1 =	vsel vm1, v3, v1;
	v3 =	vsel vm1, v5, v3  }
0x160: {  	v2 =	vsel vm1, v6, v2;
	vm0 =	vgt.f32 v4, v1  }
0x161: {  	vm1 =	vgt.f32 v4, v3;
	v2 =	vsel vm0, $0x2E, v2;
	v1 =	vsel vm0, v4, v1;
	v5 =	vld [tilespmem:s18+$0xC000]  }
0x162: {  	v6 =	vsel vm1, $0x2E, v8;
	v1 =	vsel vm1, v3, v1;
	v3 =	vsel vm1, v4, v3  }
0x163: {  	v2 =	vsel vm1, v8, v2;
	vm0 =	vgt.f32 v7, v1  }
0x164: {  	vm1 =	vgt.f32 v7, v3;
	v2 =	vsel vm0, $0x2F, v2;
	v1 =	vsel vm0, v7, v1;
	v4 =	vld [tilespmem:s18+$0xC080]  }
0x165: {  	v8 =	vsel vm1, $0x2F, v6;
	v1 =	vsel vm1, v3, v1  }
0x166: {  	v2 =	vsel vm1, v6, v2;
	v3 =	vsel vm1, v7, v3;
	vm0 =	vgt.f32 v5, v1  }
0x167: {  	vm1 =	vgt.f32 v5, v3;
	v2 =	vsel vm0, $0x30, v2;
	v1 =	vsel vm0, v5, v1;
	v6 =	vld [tilespmem:s18+$0xC100]  }
0x168: {  	v7 =	vsel vm1, $0x30, v8;
	v1 =	vsel vm1, v3, v1  }
0x169: {  	v2 =	vsel vm1, v8, v2;
	v3 =	vsel vm1, v5, v3;
	vm0 =	vgt.f32 v4, v1  }
0x16a: {  	vm1 =	vgt.f32 v4, v3;
	v2 =	vsel vm0, $0x31, v2;
	v1 =	vsel vm0, v4, v1;
	v5 =	vld [tilespmem:s18+$0xC180]  }
0x16b: {  	v8 =	vsel vm1, $0x31, v7;
	v1 =	vsel vm1, v3, v1;
	v3 =	vsel vm1, v4, v3  }
0x16c: {  	v2 =	vsel vm1, v7, v2;
	vm0 =	vgt.f32 v6, v1  }
0x16d: {  	vm1 =	vgt.f32 v6, v3;
	v2 =	vsel vm0, $0x32, v2;
	v1 =	vsel vm0, v6, v1;
	v4 =	vld [tilespmem:s18+$0xC200]  }
0x16e: {  	v7 =	vsel vm1, $0x32, v8;
	v1 =	vsel vm1, v3, v1;
	v3 =	vsel vm1, v6, v3  }
0x16f: {  	v2 =	vsel vm1, v8, v2;
	vm0 =	vgt.f32 v5, v1  }
0x170: {  	vm1 =	vgt.f32 v5, v3;
	v2 =	vsel vm0, $0x33, v2;
	v1 =	vsel vm0, v5, v1;
	v6 =	vld [tilespmem:s18+$0xC280]  }
0x171: {  	v2 =	vsel vm1, v7, v2;
	v1 =	vsel vm1, v3, v1;
	v3 =	vsel vm1, v5, v3  }
0x172: {  	v5 =	vsel vm1, $0x33, v7;
	vm0 =	vgt.f32 v4, v1  }
0x173: {  	vm1 =	vgt.f32 v4, v3;
	v2 =	vsel vm0, $0x34, v2;
	v1 =	vsel vm0, v4, v1;
	v7 =	vld [tilespmem:s18+$0xC300]  }
0x174: {  	v1 =	vsel vm1, v3, v1;
	v3 =	vsel vm1, v4, v3  }
0x175: {  	v2 =	vsel vm1, v5, v2;
	vm0 =	vgt.f32 v6, v1  }
0x176: {  	vm2 =	vgt.f32 v6, v3;
	v2 =	vsel vm0, $0x35, v2;
	v1 =	vsel vm0, v6, v1;
	v4 =	vld [tilespmem:s18+$0xC380]  }
0x177: {  	v5 =	vsel vm1, $0x34, v5;
	v1 =	vsel vm2, v3, v1;
	v3 =	vsel vm2, v6, v3  }
0x178: {  	v2 =	vsel vm2, v5, v2;
	v5 =	vsel vm2, $0x35, v5;
	vm0 =	vgt.f32 v7, v1  }
0x179: {  	vm1 =	vgt.f32 v7, v3;
	v2 =	vsel vm0, $0x36, v2;
	v1 =	vsel vm0, v7, v1;
	v6 =	vld [tilespmem:s18+$0xE000]  }
0x17a: {  	v2 =	vsel vm1, v5, v2;
	v1 =	vsel vm1, v3, v1;
	v3 =	vsel vm1, v7, v3  }
0x17b: {  	v5 =	vsel vm1, $0x36, v5;
	vm0 =	vgt.f32 v4, v1  }
0x17c: {  	vm1 =	vgt.f32 v4, v3;
	v2 =	vsel vm0, $0x37, v2;
	v1 =	vsel vm0, v4, v1;
	v7 =	vld [tilespmem:s18+$0xE080]  }
0x17d: {  	v1 =	vsel vm1, v3, v1;
	v3 =	vsel vm1, v4, v3  }
0x17e: {  	v2 =	vsel vm1, v5, v2;
	vm0 =	vgt.f32 v6, v1  }
0x17f: {  	vm2 =	vgt.f32 v6, v3;
	v2 =	vsel vm0, $0x38, v2;
	v1 =	vsel vm0, v6, v1;
	v4 =	vld [tilespmem:s18+$0xE100]  }
0x180: {  	v5 =	vsel vm1, $0x37, v5;
	v1 =	vsel vm2, v3, v1;
	v3 =	vsel vm2, v6, v3  }
0x181: {  	v6 =	vsel vm2, $0x38, v5;
	vm0 =	vgt.f32 v7, v1  }
0x182: {  	v2 =	vsel vm2, v5, v2;
	vm1 =	vgt.f32 v7, v3;
	v1 =	vsel vm0, v7, v1;
	v5 =	vld [tilespmem:s18+$0xE180]  }
0x183: {  	v2 =	vsel vm0, $0x39, v2;
	v1 =	vsel vm1, v3, v1;
	v3 =	vsel vm1, v7, v3  }
0x184: {  	v2 =	vsel vm1, v6, v2;
	v6 =	vsel vm1, $0x39, v6;
	vm0 =	vgt.f32 v4, v1;
	v7 =	vld [tilespmem:s18+$0xE200]  }
0x185: {  	vm1 =	vgt.f32 v4, v3;
	v2 =	vsel vm0, $0x3A, v2;
	v1 =	vsel vm0, v4, v1  }
0x186: {  	v8 =	vsel vm1, $0x3A, v6;
	v1 =	vsel vm1, v3, v1;
	v3 =	vsel vm1, v4, v3;
	v4 =	vld [tilespmem:s18+$0xE280]  }
0x187: {  	v2 =	vsel vm1, v6, v2;
	vm0 =	vgt.f32 v5, v3;
	vm1 =	vgt.f32 v5, v1  }
0x188: {  	v2 =	vsel vm1, $0x3B, v2;
	v1 =	vsel vm1, v5, v1;
	v5 =	vsel vm0, v5, v3;
	v6 =	vld [tilespmem:s18+$0xE300]  }
0x189: {  	v1 =	vsel vm0, v3, v1;
	v3 =	vsel vm0, $0x3B, v8;
	vm1 =	vgt.f32 v7, v5  }
0x18a: {  	v2 =	vsel vm0, v8, v2;
	vm0 =	vgt.f32 v7, v1;
	v8 =	vsel vm1, v7, v5  }
0x18b: {  	v2 =	vsel vm0, $0x3C, v2;
	v1 =	vsel vm0, v7, v1;
	vm0 =	vgt.f32 v4, v8;
	v7 =	vld [tilespmem:s18+$0xE380]  }
0x18c: {  	v1 =	vsel vm1, v5, v1;
	v5 =	vsel vm1, $0x3C, v3;
	v9 =	vsel vm0, v4, v8  }
0x18d: {  	v2 =	vsel vm1, v3, v2;
	vm1 =	vgt.f32 v4, v1;
	vm2 =	vgt.f32 v6, v9  }
0x18e: {  	v2 =	vsel vm1, $0x3D, v2;
	v1 =	vsel vm1, v4, v1;
	v3 =	vsel vm2, v6, v9  }
0x18f: {  	v4 =	vsel vm0, $0x3D, v5;
	v2 =	vsel vm0, v5, v2;
	v1 =	vsel vm0, v8, v1  }
0x190: {  	s17 =	sand.u32 $0x700, s17;
	v5 =	vsel vm2, $0x3E, v4;
	vm0 =	vgt.f32 v6, v1;
	vm1 =	vgt.f32 v7, v3  }
.Ltmp0:
0x191: {  	s16 =	sor.u32 s16, s17;
	v2 =	vsel vm0, $0x3E, v2;
	v1 =	vsel vm0, v6, v1;
	v6 =	vsel vm1, $0x3F, v5;
	(pc) =	sbr.rel @p0 .LBB2_2-.Ltmp0, $4  }
0x192: {  	v8 =	vsel vm1, v7, v3;
	v1 =	vsel vm2, v9, v1;
	[tilespmem:s16+$0x10800] =	vst v6  }
0x193: {  	v2 =	vsel vm2, v4, v2;
	vm0 =	vgt.f32 v7, v1;
	[tilespmem:s16+$0x10000] =	vst v8  }
0x194: {  	v2 =	vsel vm0, $0x3F, v2;
	v1 =	vsel vm0, v7, v1  }
0x195: {  	v2 =	vsel vm1, v5, v2;
	v1 =	vsel vm1, v3, v1  }
0x196: {  	[tilespmem:s16+$0x10880] =	vst v2  }
0x197: {  	[tilespmem:s16+$0x10080] =	vst v1  }
0x198: {  	[hbm4b:s4+s2] =	stream.linear.scatter [tilespmem:s10], [sflag:$0x1], $0x800, $0x38;
	[tilespmem:$0x11000] =	vst v63  }
0x199: {  	s12 =	sadd.s32 $0x1, s12;
	_ =	swait.ge [sflag:s9], $0x800  }
0x19a: {  	p0 =	sne.s32 s12, s6;
	[sflag:s9] =	ssyncset.done $0x0  }
.Ltmp1:
0x19b: {  	[sflag:s9] =	ssyncadd.s32 $0xFFFFF800;
	(pc) =	sbr.rel @p0 .LBB2_1-.Ltmp1, $4  }
0x19c: {  	[hbm4b:s5+s2] =	stream.linear.scatter [tilespmem:s11], [sflag:$0x1], $0x800, $0x38;
	[tilespmem:$0x11000] =	vst v63  }
0x19d: {  	_ =	swait.ge [sflag:s9], $0x800  }
0x19e: {  	[sflag:s9] =	ssyncset.done $0x0  }
0x19f: {  	[sflag:s9] =	ssyncadd.s32 $0xFFFFF800  }
0x1a0: {  	_ =	sfence.sel $0x180000  }
0x1a1: {  	[bflag:$0x0] =	sbarrier.arrive $0xFFFF  }
0x1a2: {  	p0 =	sne.s32 s1, $0x0;
	_ =	strace $0x90000047  }
0x1a3: {  	s0 =	sadd.s32 @!p0 $0x100000, s0;
	[bflag:$0x2] =	sbarrier.arrive $0xFFFF  }
0x1a4: {  	[sflag:s0] =	ssyncadd.tile.s32 @!p0 $0x1;
	_ =	shalt  }
.Lfunc_end2:
_tile_overlayer_lowered:
.L_overlay_start_2:
0x1a5: {  	(tag) =	ssettag $0x2  }
0x1a6: {  	s0 =	rddreg [dreg:$0x0];
	s2 =	stileid.u32  }
0x1a7: {  	s1 =	rddreg [dreg:$0x1];
	p0 =	sne.s32 s2, $0x0  }
0x1a8: {  	s3 =	rddreg [dreg:$0x2];
	[bflag:$0x3] =	sbarrier.arrive $0xFFFF;
	s2 =	simm.s32 @!p0 $0x1C01  }
0x1a9: {  	[timem:s3], [sflag:s2] =	dma.local @!p0 [hbm:s0], s1  }
0x1aa: {  	s0 =	simm.s32 @!p0 $0x1  }
0x1ab: {  	_ =	swait.ge @!p0 [sflag:s0], s1  }
0x1ac: {  	s1 =	ssub.s32 @!p0 $0x0, s1;
	[sflag:s0] =	ssyncset.done @!p0 $0x0  }
0x1ad: {  	[sflag:s0] =	ssyncadd.s32 @!p0 s1  }
0x1ae: {  	[bflag:$0x3] =	sbarrier.arrive $0xFFFF  }
0x1af: {  	_ =	shalt  }

</sc_bundles>
